<compile_context>
chip_gen: v7x
topology: tpu7x:2x2x1
jax: 0.10.2.dev20260603
libtpu: 0.0.44.dev20260713+nightly
codegen_flags: <defaults>
</compile_context>

<pallas_src>
import functools

import jax
import jax.numpy as jnp
from jax import lax
from jax.experimental import pallas as pl
from jax.experimental.pallas import tpu as pltpu
from jax.experimental.pallas import tpu_sc as plsc

EPS = 1e-5
CH = 128
NC = 2
NS = 16
NW = NC * NS
ZR = 1000


def _deg_kernel_body(dstp, ones_h, z_h, out, dst_v, ones_v, acc, sem):
    cid = lax.axis_index("c")
    sid = lax.axis_index("s")
    wid = cid * NS + sid
    n_chunks = dstp.shape[1]
    nz = out.shape[1] // ZR

    pltpu.sync_copy(dstp.at[wid], dst_v)
    pltpu.sync_copy(ones_h, ones_v)

    @pl.when(sid < nz)
    def _():
        pltpu.sync_copy(z_h, acc.at[pl.ds(sid * ZR, ZR)])

    plsc.subcore_barrier()

    def body(c, carry):
        pltpu.sync_copy(ones_v, acc.at[dst_v.at[c]], add=True)
        return carry

    lax.fori_loop(0, n_chunks, body, 0)
    plsc.subcore_barrier()

    @pl.when(sid < nz)
    def _():
        pltpu.sync_copy(acc.at[pl.ds(sid * ZR, ZR)],
                        out.at[cid, pl.ds(sid * ZR, ZR)])


def _scatter_kernel_body(g_h, srcp, dstp, z_h, out, src_v, dst_v, buf, acc):
    cid = lax.axis_index("c")
    sid = lax.axis_index("s")
    wid = cid * NS + sid
    n_chunks = srcp.shape[1]
    nz = out.shape[1] // ZR

    pltpu.sync_copy(srcp.at[wid], src_v)
    pltpu.sync_copy(dstp.at[wid], dst_v)

    @pl.when(sid < nz)
    def _():
        pltpu.sync_copy(z_h, acc.at[pl.ds(sid * ZR, ZR)])

    plsc.subcore_barrier()

    def body(c, carry):
        pltpu.sync_copy(g_h.at[src_v.at[c]], buf)
        pltpu.sync_copy(buf, acc.at[dst_v.at[c]], add=True)
        return carry

    lax.fori_loop(0, n_chunks, body, 0)
    plsc.subcore_barrier()

    @pl.when(sid < nz)
    def _():
        pltpu.sync_copy(acc.at[pl.ds(sid * ZR, ZR)],
                        out.at[cid, pl.ds(sid * ZR, ZR)])


def _dinv(degp_ref):
    deg = degp_ref[0, :, 0:1] + degp_ref[1, :, 0:1] + 1.0
    return lax.rsqrt(deg)


def _tc_first(degp_ref, x_ref, w_ref, g_ref):
    dinv = _dinv(degp_ref)
    h = jnp.dot(x_ref[...], w_ref[...], preferred_element_type=jnp.float32)
    g_ref[...] = h * dinv


def _bn_relu(pre):
    m = jnp.mean(pre, axis=0, keepdims=True)
    c = pre - m
    v = jnp.mean(c * c, axis=0, keepdims=True)
    return jnp.maximum(c * lax.rsqrt(v + EPS), 0.0)


def _tc_mid(p_ref, g_ref, degp_ref, b_ref, w_ref, gout_ref):
    dinv = _dinv(degp_ref)
    agg = p_ref[0] + p_ref[1] + g_ref[...]
    pre = agg * dinv + b_ref[...]
    y = _bn_relu(pre)
    h = jnp.dot(y, w_ref[...], preferred_element_type=jnp.float32)
    gout_ref[...] = h * dinv


def _tc_head(p_ref, g_ref, degp_ref, b_ref, wl1_ref, bl1_ref, wl2_ref,
             bl2_ref, o_ref):
    dinv = _dinv(degp_ref)
    agg = p_ref[0] + p_ref[1] + g_ref[...]
    pre = agg * dinv + b_ref[...]
    y = _bn_relu(pre)
    t = jnp.dot(y, wl1_ref[...], preferred_element_type=jnp.float32)
    t = _bn_relu(t + bl1_ref[...])
    o_ref[...] = jnp.dot(t, wl2_ref[...],
                         preferred_element_type=jnp.float32) + bl2_ref[...]


def kernel(x, edge_index, W0, b0, W1, b1, W2, b2, Wl1, bl1, Wl2, bl2):
    n, d = x.shape
    h = W0.shape[1]
    e = edge_index.shape[1]
    assert n % ZR == 0 and n // ZR <= NS
    n_chunks_w = -(-e // (NW * CH))
    n_chunks_w = (n_chunks_w + 7) // 8 * 8
    tot_chunks = NW * n_chunks_w
    pad_e = tot_chunks * CH - e

    src = edge_index[0]
    dst = edge_index[1]
    srcp = jnp.concatenate(
        [src, jnp.zeros((pad_e,), src.dtype)]).reshape(NW, n_chunks_w, CH)
    dstp = jnp.concatenate(
        [dst, jnp.full((pad_e,), n, dst.dtype)]).reshape(NW, n_chunks_w, CH)

    ones128 = jnp.ones((CH, h), jnp.float32)
    z128 = jnp.zeros((ZR, h), jnp.float32)

    mesh = plsc.VectorSubcoreMesh(core_axis_name="c", subcore_axis_name="s")

    deg_call = functools.partial(
        pl.kernel, _deg_kernel_body,
        out_type=jax.ShapeDtypeStruct((NC, n, h), jnp.float32),
        mesh=mesh,
        scratch_types=[
            pltpu.VMEM((tot_chunks // NW, CH), jnp.int32),
            pltpu.VMEM((CH, h), jnp.float32),
            pltpu.VMEM_SHARED((n + 1, h), jnp.float32),
            pltpu.SemaphoreType.DMA,
        ],
    )()
    degp = deg_call(dstp, ones128, z128)

    scatter_call = functools.partial(
        pl.kernel, _scatter_kernel_body,
        out_type=jax.ShapeDtypeStruct((NC, n, h), jnp.float32),
        mesh=mesh,
        scratch_types=[
            pltpu.VMEM((n_chunks_w, CH), jnp.int32),
            pltpu.VMEM((n_chunks_w, CH), jnp.int32),
            pltpu.VMEM((CH, h), jnp.float32),
            pltpu.VMEM_SHARED((n + 1, h), jnp.float32),
        ],
    )()

    b0r = b0.reshape(1, h)
    b1r = b1.reshape(1, h)
    b2r = b2.reshape(1, h)
    bl1r = bl1.reshape(1, h)
    wl2p = jnp.pad(Wl2, ((0, 0), (0, 8 - Wl2.shape[1])))
    bl2p = jnp.pad(bl2, (0, 8 - bl2.shape[0])).reshape(1, 8)

    g0 = pl.pallas_call(
        _tc_first,
        out_shape=jax.ShapeDtypeStruct((n, h), jnp.float32),
    )(degp, x, W0)

    p0 = scatter_call(g0, srcp, dstp, z128)

    g1 = pl.pallas_call(
        _tc_mid,
        out_shape=jax.ShapeDtypeStruct((n, h), jnp.float32),
    )(p0, g0, degp, b0r, W1)

    p1 = scatter_call(g1, srcp, dstp, z128)

    g2 = pl.pallas_call(
        _tc_mid,
        out_shape=jax.ShapeDtypeStruct((n, h), jnp.float32),
    )(p1, g1, degp, b1r, W2)

    p2 = scatter_call(g2, srcp, dstp, z128)

    out8 = pl.pallas_call(
        _tc_head,
        out_shape=jax.ShapeDtypeStruct((n, 8), jnp.float32),
    )(p2, g2, degp, b2r, Wl1, bl1r, wl2p, bl2p)

    return out8[:, :Wl2.shape[1]]

# --- scband reference (transcript-rebuilt; emitter-appended) ---
"""Pipeline reference for scband-gcn-23862838297156 (READ-ONLY COPY).

The authoritative reference and input builder live on the scoring server;
editing this copy changes nothing except your own understanding.
"""

import jax, jax.numpy as jnp
import numpy as np

N = 10000
D = 128
H = 128
E = 320000
EPS = 1e-5


def gcn_conv(x, edge_index, W, b):
    n = x.shape[0]
    loop = jnp.arange(n, dtype=edge_index.dtype)
    src = jnp.concatenate([edge_index[0], loop])
    dst = jnp.concatenate([edge_index[1], loop])
    deg = jax.ops.segment_sum(jnp.ones(src.shape[0], dtype=x.dtype), dst, num_segments=n)
    dinv = jnp.where(deg > 0, deg ** -0.5, 0.0)
    norm = dinv[src] * dinv[dst]
    h = x @ W
    msg = h[src] * norm[:, None]
    out = jax.ops.segment_sum(msg, dst, num_segments=n)
    return out + b


def batchnorm(x):
    mean = jnp.mean(x, axis=0)
    var = jnp.var(x, axis=0)
    return (x - mean) / jnp.sqrt(var + EPS)


def setup_inputs(seed: int = 0):
    key = jax.random.key(seed)
    ks = jax.random.split(key, 16)
    d = {}
    d["x"] = jax.random.normal(ks[0], (N, D), dtype=jnp.float32)
    d["edge_index"] = jax.random.randint(ks[1], (2, E), 0, N, dtype=jnp.int32)
    s_in = 1.0 / np.sqrt(D)
    s_h = 1.0 / np.sqrt(H)
    d["W0"] = jax.random.normal(ks[2], (D, H), dtype=jnp.float32) * s_in
    d["b0"] = jnp.zeros((H,), dtype=jnp.float32)
    d["W1"] = jax.random.normal(ks[3], (H, H), dtype=jnp.float32) * s_h
    d["b1"] = jnp.zeros((H,), dtype=jnp.float32)
    d["W2"] = jax.random.normal(ks[4], (H, H), dtype=jnp.float32) * s_h
    d["b2"] = jnp.zeros((H,), dtype=jnp.float32)
    d["Wl1"] = jax.random.normal(ks[5], (H, H), dtype=jnp.float32) * s_h
    d["bl1"] = jax.random.uniform(ks[6], (H,), dtype=jnp.float32, minval=-s_h, maxval=s_h)
    d["Wl2"] = jax.random.normal(ks[7], (H, 2), dtype=jnp.float32) * s_h
    d["bl2"] = jax.random.uniform(ks[8], (2,), dtype=jnp.float32, minval=-s_h, maxval=s_h)
    return d


def reference(x, edge_index, W0, b0, W1, b1, W2, b2, Wl1, bl1, Wl2, bl2):
    # layer 0: GCNConv(num_features -> hidden) + BN + relu
    h = gcn_conv(x, edge_index, W0, b0)
    h = jax.nn.relu(batchnorm(h))
    # layer 1
    h = gcn_conv(h, edge_index, W1, b1)
    h = jax.nn.relu(batchnorm(h))
    # layer 2
    h = gcn_conv(h, edge_index, W2, b2)
    h = jax.nn.relu(batchnorm(h))
    # MLP head: lin1_1 + BN + relu + lin1_2
    h = h @ Wl1 + bl1
    h = jax.nn.relu(batchnorm(h))
    out = h @ Wl2 + bl2
    return out

if __name__ == "__main__":
    import jax
    _d = setup_inputs()
    print(jax.jit(kernel)(*tuple(_d.values())))

</pallas_src>

<mosaic_0001>
#map = affine_map<(d0, d1) -> (0, 0)>
#map1 = affine_map<(d0, d1) -> (0, 0, 0)>
module attributes {stable_mosaic.version = 14 : i64} {
  func.func @_scatter_kernel_body(%arg0: i32, %arg1: i32, %arg2: memref<10000x128xf32, #tpu.memory_space<hbm>>, %arg3: memref<32x80x128xi32, #tpu.memory_space<hbm>>, %arg4: memref<32x80x128xi32, #tpu.memory_space<hbm>>, %arg5: memref<1000x128xf32, #tpu.memory_space<hbm>>, %arg6: memref<2x10000x128xf32, #tpu.memory_space<hbm>>, %arg7: memref<80x128xi32, #tpu.memory_space<vmem>>, %arg8: memref<80x128xi32, #tpu.memory_space<vmem>>, %arg9: memref<128x128xf32, #tpu.memory_space<vmem>>, %arg10: memref<10001x128xf32, #tpu.memory_space<vmem_shared>>) attributes {dimension_semantics = [#tpu.dimension_semantics<core_parallel>, #tpu.dimension_semantics<subcore_parallel>], iteration_bounds = array<i64: 2, 16>, scalar_prefetch = 0 : i64, scratch_operands = 4 : i64, tpu.core_type = #tpu.core_type<sc_vector_subcore>, window_params = [{transform_indices = #map}, {transform_indices = #map1}, {transform_indices = #map1}, {transform_indices = #map}, {transform_indices = #map1}]} {
    %mul3A = arith.constant 16 : i32
    %mul3A_0 = arith.muli %arg0, %mul3A : i32
    %add3A = arith.addi %mul3A_0, %arg1 : i32
    "tpu.region"() ({
      %run_scoped3A = tpu.sem_alloc : memref<!tpu.dma_semaphore, #tpu.memory_space<semaphore_mem>>
      %dma_start3A = arith.constant 0 : i32
      %dma_start3A_14 = arith.constant 0 : i32
      %dma_start3A_15 = tpu.memref_slice %arg3[%add3A, %dma_start3A, %dma_start3A_14] : memref<32x80x128xi32, #tpu.memory_space<hbm>> -> memref<1x80x128xi32, #tpu.memory_space<hbm>>
      %dma_start3A_16 = tpu.memref_squeeze %dma_start3A_15 : memref<1x80x128xi32, #tpu.memory_space<hbm>> -> memref<80x128xi32, #tpu.memory_space<hbm>>
      %dma_start3A_17 = arith.constant 0 : i32
      %dma_start3A_18 = arith.constant 0 : i32
      %dma_start3A_19 = tpu.memref_slice %arg3[%add3A, %dma_start3A_17, %dma_start3A_18] : memref<32x80x128xi32, #tpu.memory_space<hbm>> -> memref<1x80x128xi32, #tpu.memory_space<hbm>>
      %dma_start3A_20 = tpu.memref_squeeze %dma_start3A_19 : memref<1x80x128xi32, #tpu.memory_space<hbm>> -> memref<80x128xi32, #tpu.memory_space<hbm>>
      tpu.enqueue_dma source(%dma_start3A_20 : memref<80x128xi32, #tpu.memory_space<hbm>>) target(%arg7 : memref<80x128xi32, #tpu.memory_space<vmem>>) target_semaphore(%run_scoped3A : memref<!tpu.dma_semaphore, #tpu.memory_space<semaphore_mem>>)
      %dma_wait3A = arith.constant 0 : i32
      %dma_wait3A_21 = arith.constant 0 : i32
      %dma_wait3A_22 = tpu.memref_slice %arg3[%add3A, %dma_wait3A, %dma_wait3A_21] : memref<32x80x128xi32, #tpu.memory_space<hbm>> -> memref<1x80x128xi32, #tpu.memory_space<hbm>>
      %dma_wait3A_23 = tpu.memref_squeeze %dma_wait3A_22 : memref<1x80x128xi32, #tpu.memory_space<hbm>> -> memref<80x128xi32, #tpu.memory_space<hbm>>
      %dma_wait3A_24 = arith.constant 0 : i32
      %dma_wait3A_25 = arith.constant 0 : i32
      %dma_wait3A_26 = tpu.memref_slice %arg3[%add3A, %dma_wait3A_24, %dma_wait3A_25] : memref<32x80x128xi32, #tpu.memory_space<hbm>> -> memref<1x80x128xi32, #tpu.memory_space<hbm>>
      %dma_wait3A_27 = tpu.memref_squeeze %dma_wait3A_26 : memref<1x80x128xi32, #tpu.memory_space<hbm>> -> memref<80x128xi32, #tpu.memory_space<hbm>>
      tpu.wait_dma2 semaphore(%run_scoped3A : memref<!tpu.dma_semaphore, #tpu.memory_space<semaphore_mem>>) src(%dma_wait3A_27 : memref<80x128xi32, #tpu.memory_space<hbm>>) dst(%arg7 : memref<80x128xi32, #tpu.memory_space<vmem>>)
      tpu.yield
    }) : () -> ()
    "tpu.region"() ({
      %run_scoped3A = tpu.sem_alloc : memref<!tpu.dma_semaphore, #tpu.memory_space<semaphore_mem>>
      %dma_start3A = arith.constant 0 : i32
      %dma_start3A_14 = arith.constant 0 : i32
      %dma_start3A_15 = tpu.memref_slice %arg4[%add3A, %dma_start3A, %dma_start3A_14] : memref<32x80x128xi32, #tpu.memory_space<hbm>> -> memref<1x80x128xi32, #tpu.memory_space<hbm>>
      %dma_start3A_16 = tpu.memref_squeeze %dma_start3A_15 : memref<1x80x128xi32, #tpu.memory_space<hbm>> -> memref<80x128xi32, #tpu.memory_space<hbm>>
      %dma_start3A_17 = arith.constant 0 : i32
      %dma_start3A_18 = arith.constant 0 : i32
      %dma_start3A_19 = tpu.memref_slice %arg4[%add3A, %dma_start3A_17, %dma_start3A_18] : memref<32x80x128xi32, #tpu.memory_space<hbm>> -> memref<1x80x128xi32, #tpu.memory_space<hbm>>
      %dma_start3A_20 = tpu.memref_squeeze %dma_start3A_19 : memref<1x80x128xi32, #tpu.memory_space<hbm>> -> memref<80x128xi32, #tpu.memory_space<hbm>>
      tpu.enqueue_dma source(%dma_start3A_20 : memref<80x128xi32, #tpu.memory_space<hbm>>) target(%arg8 : memref<80x128xi32, #tpu.memory_space<vmem>>) target_semaphore(%run_scoped3A : memref<!tpu.dma_semaphore, #tpu.memory_space<semaphore_mem>>)
      %dma_wait3A = arith.constant 0 : i32
      %dma_wait3A_21 = arith.constant 0 : i32
      %dma_wait3A_22 = tpu.memref_slice %arg4[%add3A, %dma_wait3A, %dma_wait3A_21] : memref<32x80x128xi32, #tpu.memory_space<hbm>> -> memref<1x80x128xi32, #tpu.memory_space<hbm>>
      %dma_wait3A_23 = tpu.memref_squeeze %dma_wait3A_22 : memref<1x80x128xi32, #tpu.memory_space<hbm>> -> memref<80x128xi32, #tpu.memory_space<hbm>>
      %dma_wait3A_24 = arith.constant 0 : i32
      %dma_wait3A_25 = arith.constant 0 : i32
      %dma_wait3A_26 = tpu.memref_slice %arg4[%add3A, %dma_wait3A_24, %dma_wait3A_25] : memref<32x80x128xi32, #tpu.memory_space<hbm>> -> memref<1x80x128xi32, #tpu.memory_space<hbm>>
      %dma_wait3A_27 = tpu.memref_squeeze %dma_wait3A_26 : memref<1x80x128xi32, #tpu.memory_space<hbm>> -> memref<80x128xi32, #tpu.memory_space<hbm>>
      tpu.wait_dma2 semaphore(%run_scoped3A : memref<!tpu.dma_semaphore, #tpu.memory_space<semaphore_mem>>) src(%dma_wait3A_27 : memref<80x128xi32, #tpu.memory_space<hbm>>) dst(%arg8 : memref<80x128xi32, #tpu.memory_space<vmem>>)
      tpu.yield
    }) : () -> ()
    %lt3A = arith.constant 10 : i32
    %lt3A_1 = arith.cmpi slt, %arg1, %lt3A : i32
    %convert_element_type3A = arith.extui %lt3A_1 : i1 to i32
    %cond3A = arith.constant 0 : i32
    %cond3A_2 = arith.cmpi ne, %convert_element_type3A, %cond3A : i32
    scf.if %cond3A_2 {
      %mul3A_14 = arith.constant 1000 : i32
      %mul3A_15 = arith.muli %arg1, %mul3A_14 : i32
      "tpu.region"() ({
        %run_scoped3A = tpu.sem_alloc : memref<!tpu.dma_semaphore, #tpu.memory_space<semaphore_mem>>
        %dma_start3A = arith.constant 0 : i32
        %dma_start3A_16 = tpu.memref_slice %arg10[%mul3A_15, %dma_start3A] : memref<10001x128xf32, #tpu.memory_space<vmem_shared>> -> memref<1000x128xf32, #tpu.memory_space<vmem_shared>>
        tpu.enqueue_dma source(%arg5 : memref<1000x128xf32, #tpu.memory_space<hbm>>) target(%dma_start3A_16 : memref<1000x128xf32, #tpu.memory_space<vmem_shared>>) target_semaphore(%run_scoped3A : memref<!tpu.dma_semaphore, #tpu.memory_space<semaphore_mem>>)
        %dma_wait3A = arith.constant 0 : i32
        %dma_wait3A_17 = tpu.memref_slice %arg10[%mul3A_15, %dma_wait3A] : memref<10001x128xf32, #tpu.memory_space<vmem_shared>> -> memref<1000x128xf32, #tpu.memory_space<vmem_shared>>
        tpu.wait_dma2 semaphore(%run_scoped3A : memref<!tpu.dma_semaphore, #tpu.memory_space<semaphore_mem>>) src(%arg5 : memref<1000x128xf32, #tpu.memory_space<hbm>>) dst(%dma_wait3A_17 : memref<1000x128xf32, #tpu.memory_space<vmem_shared>>)
        tpu.yield
      }) : () -> ()
    } else {
    }
    %barrier3A = arith.constant 0 : index
    tpu.barrier barrier_id(%barrier3A)
    %scan3A = arith.constant 0 : i32
    %scan3A_3 = arith.constant 0 : i32
    %scan3A_4 = arith.constant 80 : i32
    %scan3A_5 = arith.addi %scan3A_3, %scan3A_4 : i32
    %scan3A_6 = arith.constant 1 : i32
    scf.for %scan3A_14 = %scan3A_3 to %scan3A_5 step %scan3A_6  : i32 {
      "tpu.region"() ({
        %run_scoped3A = tpu.sem_alloc : memref<!tpu.dma_semaphore, #tpu.memory_space<semaphore_mem>>
        %dma_start3A = arith.constant 0 : i32
        %dma_start3A_15 = tpu.memref_slice %arg7[%scan3A_14, %dma_start3A] : memref<80x128xi32, #tpu.memory_space<vmem>> -> memref<1x128xi32, #tpu.memory_space<vmem>>
        %dma_start3A_16 = tpu.memref_squeeze %dma_start3A_15 : memref<1x128xi32, #tpu.memory_space<vmem>> -> memref<128xi32, #tpu.memory_space<vmem>>
        %dma_start3A_17 = arith.constant 0 : i32
        %dma_start3A_18 = arith.constant 0 : i32
        %dma_start3A_19 = tpu.memref_slice %arg2[%dma_start3A_17, %dma_start3A_18] : memref<10000x128xf32, #tpu.memory_space<hbm>> -> memref<10000x128xf32, #tpu.memory_space<hbm>>
        tpu.enqueue_indirect_dma source(%dma_start3A_19 : memref<10000x128xf32, #tpu.memory_space<hbm>>) target(%arg9 : memref<128x128xf32, #tpu.memory_space<vmem>>) offsets(%dma_start3A_16 : memref<128xi32, #tpu.memory_space<vmem>>) semaphore(%run_scoped3A : memref<!tpu.dma_semaphore, #tpu.memory_space<semaphore_mem>>)
        %dma_wait3A = arith.constant 0 : i32
        %dma_wait3A_20 = tpu.memref_slice %arg7[%scan3A_14, %dma_wait3A] : memref<80x128xi32, #tpu.memory_space<vmem>> -> memref<1x128xi32, #tpu.memory_space<vmem>>
        %dma_wait3A_21 = tpu.memref_squeeze %dma_wait3A_20 : memref<1x128xi32, #tpu.memory_space<vmem>> -> memref<128xi32, #tpu.memory_space<vmem>>
        %dma_wait3A_22 = arith.constant 0 : i32
        %dma_wait3A_23 = arith.constant 0 : i32
        %dma_wait3A_24 = tpu.memref_slice %arg2[%dma_wait3A_22, %dma_wait3A_23] : memref<10000x128xf32, #tpu.memory_space<hbm>> -> memref<10000x128xf32, #tpu.memory_space<hbm>>
        tpu.wait_indirect_dma semaphore(%run_scoped3A : memref<!tpu.dma_semaphore, #tpu.memory_space<semaphore_mem>>) src(%dma_wait3A_24 : memref<10000x128xf32, #tpu.memory_space<hbm>>) dst(%arg9 : memref<128x128xf32, #tpu.memory_space<vmem>>)
        tpu.yield
      }) : () -> ()
      "tpu.region"() ({
        %run_scoped3A = tpu.sem_alloc : memref<!tpu.dma_semaphore, #tpu.memory_space<semaphore_mem>>
        %dma_start3A = arith.constant 0 : i32
        %dma_start3A_15 = tpu.memref_slice %arg8[%scan3A_14, %dma_start3A] : memref<80x128xi32, #tpu.memory_space<vmem>> -> memref<1x128xi32, #tpu.memory_space<vmem>>
        %dma_start3A_16 = tpu.memref_squeeze %dma_start3A_15 : memref<1x128xi32, #tpu.memory_space<vmem>> -> memref<128xi32, #tpu.memory_space<vmem>>
        %dma_start3A_17 = arith.constant 0 : i32
        %dma_start3A_18 = arith.constant 0 : i32
        %dma_start3A_19 = tpu.memref_slice %arg10[%dma_start3A_17, %dma_start3A_18] : memref<10001x128xf32, #tpu.memory_space<vmem_shared>> -> memref<10001x128xf32, #tpu.memory_space<vmem_shared>>
        tpu.enqueue_indirect_dma source(%arg9 : memref<128x128xf32, #tpu.memory_space<vmem>>) target(%dma_start3A_19 : memref<10001x128xf32, #tpu.memory_space<vmem_shared>>) offsets(%dma_start3A_16 : memref<128xi32, #tpu.memory_space<vmem>>) semaphore(%run_scoped3A : memref<!tpu.dma_semaphore, #tpu.memory_space<semaphore_mem>>) {add = true}
        %dma_wait3A = arith.constant 0 : i32
        %dma_wait3A_20 = tpu.memref_slice %arg8[%scan3A_14, %dma_wait3A] : memref<80x128xi32, #tpu.memory_space<vmem>> -> memref<1x128xi32, #tpu.memory_space<vmem>>
        %dma_wait3A_21 = tpu.memref_squeeze %dma_wait3A_20 : memref<1x128xi32, #tpu.memory_space<vmem>> -> memref<128xi32, #tpu.memory_space<vmem>>
        %dma_wait3A_22 = arith.constant 0 : i32
        %dma_wait3A_23 = arith.constant 0 : i32
        %dma_wait3A_24 = tpu.memref_slice %arg10[%dma_wait3A_22, %dma_wait3A_23] : memref<10001x128xf32, #tpu.memory_space<vmem_shared>> -> memref<10001x128xf32, #tpu.memory_space<vmem_shared>>
        tpu.wait_indirect_dma semaphore(%run_scoped3A : memref<!tpu.dma_semaphore, #tpu.memory_space<semaphore_mem>>) src(%arg9 : memref<128x128xf32, #tpu.memory_space<vmem>>) dst(%dma_wait3A_24 : memref<10001x128xf32, #tpu.memory_space<vmem_shared>>)
        tpu.yield
      }) : () -> ()
    }
    %scan3A_7 = arith.constant 80 : i32
    %barrier3A_8 = arith.constant 0 : index
    tpu.barrier barrier_id(%barrier3A_8)
    %lt3A_9 = arith.constant 10 : i32
    %lt3A_10 = arith.cmpi slt, %arg1, %lt3A_9 : i32
    %convert_element_type3A_11 = arith.extui %lt3A_10 : i1 to i32
    %cond3A_12 = arith.constant 0 : i32
    %cond3A_13 = arith.cmpi ne, %convert_element_type3A_11, %cond3A_12 : i32
    scf.if %cond3A_13 {
      %mul3A_14 = arith.constant 1000 : i32
      %mul3A_15 = arith.muli %arg1, %mul3A_14 : i32
      %mul3A_16 = arith.constant 1000 : i32
      %mul3A_17 = arith.muli %arg1, %mul3A_16 : i32
      "tpu.region"() ({
        %run_scoped3A = tpu.sem_alloc : memref<!tpu.dma_semaphore, #tpu.memory_space<semaphore_mem>>
        %dma_start3A = arith.constant 0 : i32
        %dma_start3A_18 = tpu.memref_slice %arg6[%arg0, %mul3A_17, %dma_start3A] : memref<2x10000x128xf32, #tpu.memory_space<hbm>> -> memref<1x1000x128xf32, #tpu.memory_space<hbm>>
        %dma_start3A_19 = tpu.memref_squeeze %dma_start3A_18 : memref<1x1000x128xf32, #tpu.memory_space<hbm>> -> memref<1000x128xf32, #tpu.memory_space<hbm>>
        %dma_start3A_20 = arith.constant 0 : i32
        %dma_start3A_21 = tpu.memref_slice %arg10[%mul3A_15, %dma_start3A_20] : memref<10001x128xf32, #tpu.memory_space<vmem_shared>> -> memref<1000x128xf32, #tpu.memory_space<vmem_shared>>
        tpu.enqueue_dma source(%dma_start3A_21 : memref<1000x128xf32, #tpu.memory_space<vmem_shared>>) target(%dma_start3A_19 : memref<1000x128xf32, #tpu.memory_space<hbm>>) target_semaphore(%run_scoped3A : memref<!tpu.dma_semaphore, #tpu.memory_space<semaphore_mem>>)
        %dma_wait3A = arith.constant 0 : i32
        %dma_wait3A_22 = tpu.memref_slice %arg6[%arg0, %mul3A_17, %dma_wait3A] : memref<2x10000x128xf32, #tpu.memory_space<hbm>> -> memref<1x1000x128xf32, #tpu.memory_space<hbm>>
        %dma_wait3A_23 = tpu.memref_squeeze %dma_wait3A_22 : memref<1x1000x128xf32, #tpu.memory_space<hbm>> -> memref<1000x128xf32, #tpu.memory_space<hbm>>
        %dma_wait3A_24 = arith.constant 0 : i32
        %dma_wait3A_25 = tpu.memref_slice %arg10[%mul3A_15, %dma_wait3A_24] : memref<10001x128xf32, #tpu.memory_space<vmem_shared>> -> memref<1000x128xf32, #tpu.memory_space<vmem_shared>>
        tpu.wait_dma2 semaphore(%run_scoped3A : memref<!tpu.dma_semaphore, #tpu.memory_space<semaphore_mem>>) src(%dma_wait3A_25 : memref<1000x128xf32, #tpu.memory_space<vmem_shared>>) dst(%dma_wait3A_23 : memref<1000x128xf32, #tpu.memory_space<hbm>>)
        tpu.yield
      }) : () -> ()
    } else {
    }
    return
  }
}

#map = affine_map<(d0, d1) -> (0, 0)>
#map1 = affine_map<(d0, d1) -> (0, 0, 0)>
module attributes {stable_mosaic.version = 14 : i64} {
  func.func @_scatter_kernel_body(%arg0: i32, %arg1: i32, %arg2: memref<10000x128xf32, #tpu.memory_space<hbm>>, %arg3: memref<32x80x128xi32, #tpu.memory_space<hbm>>, %arg4: memref<32x80x128xi32, #tpu.memory_space<hbm>>, %arg5: memref<1000x128xf32, #tpu.memory_space<hbm>>, %arg6: memref<2x10000x128xf32, #tpu.memory_space<hbm>>, %arg7: memref<80x128xi32, #tpu.memory_space<vmem>>, %arg8: memref<80x128xi32, #tpu.memory_space<vmem>>, %arg9: memref<128x128xf32, #tpu.memory_space<vmem>>, %arg10: memref<10001x128xf32, #tpu.memory_space<vmem_shared>>) attributes {dimension_semantics = [#tpu.dimension_semantics<core_parallel>, #tpu.dimension_semantics<subcore_parallel>], iteration_bounds = array<i64: 2, 16>, scalar_prefetch = 0 : i64, scratch_operands = 4 : i64, tpu.core_type = #tpu.core_type<sc_vector_subcore>, window_params = [{transform_indices = #map}, {transform_indices = #map1}, {transform_indices = #map1}, {transform_indices = #map}, {transform_indices = #map1}]} {
    %mul3A = arith.constant 16 : i32
    %mul3A_0 = arith.muli %arg0, %mul3A : i32
    %add3A = arith.addi %mul3A_0, %arg1 : i32
    "tpu.region"() ({
      %run_scoped3A = tpu.sem_alloc : memref<!tpu.dma_semaphore, #tpu.memory_space<semaphore_mem>>
      %dma_start3A = arith.constant 0 : i32
      %dma_start3A_14 = arith.constant 0 : i32
      %dma_start3A_15 = tpu.memref_slice %arg3[%add3A, %dma_start3A, %dma_start3A_14] : memref<32x80x128xi32, #tpu.memory_space<hbm>> -> memref<1x80x128xi32, #tpu.memory_space<hbm>>
      %dma_start3A_16 = tpu.memref_squeeze %dma_start3A_15 : memref<1x80x128xi32, #tpu.memory_space<hbm>> -> memref<80x128xi32, #tpu.memory_space<hbm>>
      %dma_start3A_17 = arith.constant 0 : i32
      %dma_start3A_18 = arith.constant 0 : i32
      %dma_start3A_19 = tpu.memref_slice %arg3[%add3A, %dma_start3A_17, %dma_start3A_18] : memref<32x80x128xi32, #tpu.memory_space<hbm>> -> memref<1x80x128xi32, #tpu.memory_space<hbm>>
      %dma_start3A_20 = tpu.memref_squeeze %dma_start3A_19 : memref<1x80x128xi32, #tpu.memory_space<hbm>> -> memref<80x128xi32, #tpu.memory_space<hbm>>
      tpu.enqueue_dma source(%dma_start3A_20 : memref<80x128xi32, #tpu.memory_space<hbm>>) target(%arg7 : memref<80x128xi32, #tpu.memory_space<vmem>>) target_semaphore(%run_scoped3A : memref<!tpu.dma_semaphore, #tpu.memory_space<semaphore_mem>>)
      %dma_wait3A = arith.constant 0 : i32
      %dma_wait3A_21 = arith.constant 0 : i32
      %dma_wait3A_22 = tpu.memref_slice %arg3[%add3A, %dma_wait3A, %dma_wait3A_21] : memref<32x80x128xi32, #tpu.memory_space<hbm>> -> memref<1x80x128xi32, #tpu.memory_space<hbm>>
      %dma_wait3A_23 = tpu.memref_squeeze %dma_wait3A_22 : memref<1x80x128xi32, #tpu.memory_space<hbm>> -> memref<80x128xi32, #tpu.memory_space<hbm>>
      %dma_wait3A_24 = arith.constant 0 : i32
      %dma_wait3A_25 = arith.constant 0 : i32
      %dma_wait3A_26 = tpu.memref_slice %arg3[%add3A, %dma_wait3A_24, %dma_wait3A_25] : memref<32x80x128xi32, #tpu.memory_space<hbm>> -> memref<1x80x128xi32, #tpu.memory_space<hbm>>
      %dma_wait3A_27 = tpu.memref_squeeze %dma_wait3A_26 : memref<1x80x128xi32, #tpu.memory_space<hbm>> -> memref<80x128xi32, #tpu.memory_space<hbm>>
      tpu.wait_dma2 semaphore(%run_scoped3A : memref<!tpu.dma_semaphore, #tpu.memory_space<semaphore_mem>>) src(%dma_wait3A_27 : memref<80x128xi32, #tpu.memory_space<hbm>>) dst(%arg7 : memref<80x128xi32, #tpu.memory_space<vmem>>)
      tpu.yield
    }) : () -> ()
    "tpu.region"() ({
      %run_scoped3A = tpu.sem_alloc : memref<!tpu.dma_semaphore, #tpu.memory_space<semaphore_mem>>
      %dma_start3A = arith.constant 0 : i32
      %dma_start3A_14 = arith.constant 0 : i32
      %dma_start3A_15 = tpu.memref_slice %arg4[%add3A, %dma_start3A, %dma_start3A_14] : memref<32x80x128xi32, #tpu.memory_space<hbm>> -> memref<1x80x128xi32, #tpu.memory_space<hbm>>
      %dma_start3A_16 = tpu.memref_squeeze %dma_start3A_15 : memref<1x80x128xi32, #tpu.memory_space<hbm>> -> memref<80x128xi32, #tpu.memory_space<hbm>>
      %dma_start3A_17 = arith.constant 0 : i32
      %dma_start3A_18 = arith.constant 0 : i32
      %dma_start3A_19 = tpu.memref_slice %arg4[%add3A, %dma_start3A_17, %dma_start3A_18] : memref<32x80x128xi32, #tpu.memory_space<hbm>> -> memref<1x80x128xi32, #tpu.memory_space<hbm>>
      %dma_start3A_20 = tpu.memref_squeeze %dma_start3A_19 : memref<1x80x128xi32, #tpu.memory_space<hbm>> -> memref<80x128xi32, #tpu.memory_space<hbm>>
      tpu.enqueue_dma source(%dma_start3A_20 : memref<80x128xi32, #tpu.memory_space<hbm>>) target(%arg8 : memref<80x128xi32, #tpu.memory_space<vmem>>) target_semaphore(%run_scoped3A : memref<!tpu.dma_semaphore, #tpu.memory_space<semaphore_mem>>)
      %dma_wait3A = arith.constant 0 : i32
      %dma_wait3A_21 = arith.constant 0 : i32
      %dma_wait3A_22 = tpu.memref_slice %arg4[%add3A, %dma_wait3A, %dma_wait3A_21] : memref<32x80x128xi32, #tpu.memory_space<hbm>> -> memref<1x80x128xi32, #tpu.memory_space<hbm>>
      %dma_wait3A_23 = tpu.memref_squeeze %dma_wait3A_22 : memref<1x80x128xi32, #tpu.memory_space<hbm>> -> memref<80x128xi32, #tpu.memory_space<hbm>>
      %dma_wait3A_24 = arith.constant 0 : i32
      %dma_wait3A_25 = arith.constant 0 : i32
      %dma_wait3A_26 = tpu.memref_slice %arg4[%add3A, %dma_wait3A_24, %dma_wait3A_25] : memref<32x80x128xi32, #tpu.memory_space<hbm>> -> memref<1x80x128xi32, #tpu.memory_space<hbm>>
      %dma_wait3A_27 = tpu.memref_squeeze %dma_wait3A_26 : memref<1x80x128xi32, #tpu.memory_space<hbm>> -> memref<80x128xi32, #tpu.memory_space<hbm>>
      tpu.wait_dma2 semaphore(%run_scoped3A : memref<!tpu.dma_semaphore, #tpu.memory_space<semaphore_mem>>) src(%dma_wait3A_27 : memref<80x128xi32, #tpu.memory_space<hbm>>) dst(%arg8 : memref<80x128xi32, #tpu.memory_space<vmem>>)
      tpu.yield
    }) : () -> ()
    %lt3A = arith.constant 10 : i32
    %lt3A_1 = arith.cmpi slt, %arg1, %lt3A : i32
    %convert_element_type3A = arith.extui %lt3A_1 : i1 to i32
    %cond3A = arith.constant 0 : i32
    %cond3A_2 = arith.cmpi ne, %convert_element_type3A, %cond3A : i32
    scf.if %cond3A_2 {
      %mul3A_14 = arith.constant 1000 : i32
      %mul3A_15 = arith.muli %arg1, %mul3A_14 : i32
      "tpu.region"() ({
        %run_scoped3A = tpu.sem_alloc : memref<!tpu.dma_semaphore, #tpu.memory_space<semaphore_mem>>
        %dma_start3A = arith.constant 0 : i32
        %dma_start3A_16 = tpu.memref_slice %arg10[%mul3A_15, %dma_start3A] : memref<10001x128xf32, #tpu.memory_space<vmem_shared>> -> memref<1000x128xf32, #tpu.memory_space<vmem_shared>>
        tpu.enqueue_dma source(%arg5 : memref<1000x128xf32, #tpu.memory_space<hbm>>) target(%dma_start3A_16 : memref<1000x128xf32, #tpu.memory_space<vmem_shared>>) target_semaphore(%run_scoped3A : memref<!tpu.dma_semaphore, #tpu.memory_space<semaphore_mem>>)
        %dma_wait3A = arith.constant 0 : i32
        %dma_wait3A_17 = tpu.memref_slice %arg10[%mul3A_15, %dma_wait3A] : memref<10001x128xf32, #tpu.memory_space<vmem_shared>> -> memref<1000x128xf32, #tpu.memory_space<vmem_shared>>
        tpu.wait_dma2 semaphore(%run_scoped3A : memref<!tpu.dma_semaphore, #tpu.memory_space<semaphore_mem>>) src(%arg5 : memref<1000x128xf32, #tpu.memory_space<hbm>>) dst(%dma_wait3A_17 : memref<1000x128xf32, #tpu.memory_space<vmem_shared>>)
        tpu.yield
      }) : () -> ()
    } else {
    }
    %barrier3A = arith.constant 0 : index
    tpu.barrier barrier_id(%barrier3A)
    %scan3A = arith.constant 0 : i32
    %scan3A_3 = arith.constant 0 : i32
    %scan3A_4 = arith.constant 80 : i32
    %scan3A_5 = arith.addi %scan3A_3, %scan3A_4 : i32
    %scan3A_6 = arith.constant 1 : i32
    scf.for %scan3A_14 = %scan3A_3 to %scan3A_5 step %scan3A_6  : i32 {
      "tpu.region"() ({
        %run_scoped3A = tpu.sem_alloc : memref<!tpu.dma_semaphore, #tpu.memory_space<semaphore_mem>>
        %dma_start3A = arith.constant 0 : i32
        %dma_start3A_15 = tpu.memref_slice %arg7[%scan3A_14, %dma_start3A] : memref<80x128xi32, #tpu.memory_space<vmem>> -> memref<1x128xi32, #tpu.memory_space<vmem>>
        %dma_start3A_16 = tpu.memref_squeeze %dma_start3A_15 : memref<1x128xi32, #tpu.memory_space<vmem>> -> memref<128xi32, #tpu.memory_space<vmem>>
        %dma_start3A_17 = arith.constant 0 : i32
        %dma_start3A_18 = arith.constant 0 : i32
        %dma_start3A_19 = tpu.memref_slice %arg2[%dma_start3A_17, %dma_start3A_18] : memref<10000x128xf32, #tpu.memory_space<hbm>> -> memref<10000x128xf32, #tpu.memory_space<hbm>>
        tpu.enqueue_indirect_dma source(%dma_start3A_19 : memref<10000x128xf32, #tpu.memory_space<hbm>>) target(%arg9 : memref<128x128xf32, #tpu.memory_space<vmem>>) offsets(%dma_start3A_16 : memref<128xi32, #tpu.memory_space<vmem>>) semaphore(%run_scoped3A : memref<!tpu.dma_semaphore, #tpu.memory_space<semaphore_mem>>)
        %dma_wait3A = arith.constant 0 : i32
        %dma_wait3A_20 = tpu.memref_slice %arg7[%scan3A_14, %dma_wait3A] : memref<80x128xi32, #tpu.memory_space<vmem>> -> memref<1x128xi32, #tpu.memory_space<vmem>>
        %dma_wait3A_21 = tpu.memref_squeeze %dma_wait3A_20 : memref<1x128xi32, #tpu.memory_space<vmem>> -> memref<128xi32, #tpu.memory_space<vmem>>
        %dma_wait3A_22 = arith.constant 0 : i32
        %dma_wait3A_23 = arith.constant 0 : i32
        %dma_wait3A_24 = tpu.memref_slice %arg2[%dma_wait3A_22, %dma_wait3A_23] : memref<10000x128xf32, #tpu.memory_space<hbm>> -> memref<10000x128xf32, #tpu.memory_space<hbm>>
        tpu.wait_indirect_dma semaphore(%run_scoped3A : memref<!tpu.dma_semaphore, #tpu.memory_space<semaphore_mem>>) src(%dma_wait3A_24 : memref<10000x128xf32, #tpu.memory_space<hbm>>) dst(%arg9 : memref<128x128xf32, #tpu.memory_space<vmem>>)
        tpu.yield
      }) : () -> ()
      "tpu.region"() ({
        %run_scoped3A = tpu.sem_alloc : memref<!tpu.dma_semaphore, #tpu.memory_space<semaphore_mem>>
        %dma_start3A = arith.constant 0 : i32
        %dma_start3A_15 = tpu.memref_slice %arg8[%scan3A_14, %dma_start3A] : memref<80x128xi32, #tpu.memory_space<vmem>> -> memref<1x128xi32, #tpu.memory_space<vmem>>
        %dma_start3A_16 = tpu.memref_squeeze %dma_start3A_15 : memref<1x128xi32, #tpu.memory_space<vmem>> -> memref<128xi32, #tpu.memory_space<vmem>>
        %dma_start3A_17 = arith.constant 0 : i32
        %dma_start3A_18 = arith.constant 0 : i32
        %dma_start3A_19 = tpu.memref_slice %arg10[%dma_start3A_17, %dma_start3A_18] : memref<10001x128xf32, #tpu.memory_space<vmem_shared>> -> memref<10001x128xf32, #tpu.memory_space<vmem_shared>>
        tpu.enqueue_indirect_dma source(%arg9 : memref<128x128xf32, #tpu.memory_space<vmem>>) target(%dma_start3A_19 : memref<10001x128xf32, #tpu.memory_space<vmem_shared>>) offsets(%dma_start3A_16 : memref<128xi32, #tpu.memory_space<vmem>>) semaphore(%run_scoped3A : memref<!tpu.dma_semaphore, #tpu.memory_space<semaphore_mem>>) {add = true}
        %dma_wait3A = arith.constant 0 : i32
        %dma_wait3A_20 = tpu.memref_slice %arg8[%scan3A_14, %dma_wait3A] : memref<80x128xi32, #tpu.memory_space<vmem>> -> memref<1x128xi32, #tpu.memory_space<vmem>>
        %dma_wait3A_21 = tpu.memref_squeeze %dma_wait3A_20 : memref<1x128xi32, #tpu.memory_space<vmem>> -> memref<128xi32, #tpu.memory_space<vmem>>
        %dma_wait3A_22 = arith.constant 0 : i32
        %dma_wait3A_23 = arith.constant 0 : i32
        %dma_wait3A_24 = tpu.memref_slice %arg10[%dma_wait3A_22, %dma_wait3A_23] : memref<10001x128xf32, #tpu.memory_space<vmem_shared>> -> memref<10001x128xf32, #tpu.memory_space<vmem_shared>>
        tpu.wait_indirect_dma semaphore(%run_scoped3A : memref<!tpu.dma_semaphore, #tpu.memory_space<semaphore_mem>>) src(%arg9 : memref<128x128xf32, #tpu.memory_space<vmem>>) dst(%dma_wait3A_24 : memref<10001x128xf32, #tpu.memory_space<vmem_shared>>)
        tpu.yield
      }) : () -> ()
    }
    %scan3A_7 = arith.constant 80 : i32
    %barrier3A_8 = arith.constant 0 : index
    tpu.barrier barrier_id(%barrier3A_8)
    %lt3A_9 = arith.constant 10 : i32
    %lt3A_10 = arith.cmpi slt, %arg1, %lt3A_9 : i32
    %convert_element_type3A_11 = arith.extui %lt3A_10 : i1 to i32
    %cond3A_12 = arith.constant 0 : i32
    %cond3A_13 = arith.cmpi ne, %convert_element_type3A_11, %cond3A_12 : i32
    scf.if %cond3A_13 {
      %mul3A_14 = arith.constant 1000 : i32
      %mul3A_15 = arith.muli %arg1, %mul3A_14 : i32
      %mul3A_16 = arith.constant 1000 : i32
      %mul3A_17 = arith.muli %arg1, %mul3A_16 : i32
      "tpu.region"() ({
        %run_scoped3A = tpu.sem_alloc : memref<!tpu.dma_semaphore, #tpu.memory_space<semaphore_mem>>
        %dma_start3A = arith.constant 0 : i32
        %dma_start3A_18 = tpu.memref_slice %arg6[%arg0, %mul3A_17, %dma_start3A] : memref<2x10000x128xf32, #tpu.memory_space<hbm>> -> memref<1x1000x128xf32, #tpu.memory_space<hbm>>
        %dma_start3A_19 = tpu.memref_squeeze %dma_start3A_18 : memref<1x1000x128xf32, #tpu.memory_space<hbm>> -> memref<1000x128xf32, #tpu.memory_space<hbm>>
        %dma_start3A_20 = arith.constant 0 : i32
        %dma_start3A_21 = tpu.memref_slice %arg10[%mul3A_15, %dma_start3A_20] : memref<10001x128xf32, #tpu.memory_space<vmem_shared>> -> memref<1000x128xf32, #tpu.memory_space<vmem_shared>>
        tpu.enqueue_dma source(%dma_start3A_21 : memref<1000x128xf32, #tpu.memory_space<vmem_shared>>) target(%dma_start3A_19 : memref<1000x128xf32, #tpu.memory_space<hbm>>) target_semaphore(%run_scoped3A : memref<!tpu.dma_semaphore, #tpu.memory_space<semaphore_mem>>)
        %dma_wait3A = arith.constant 0 : i32
        %dma_wait3A_22 = tpu.memref_slice %arg6[%arg0, %mul3A_17, %dma_wait3A] : memref<2x10000x128xf32, #tpu.memory_space<hbm>> -> memref<1x1000x128xf32, #tpu.memory_space<hbm>>
        %dma_wait3A_23 = tpu.memref_squeeze %dma_wait3A_22 : memref<1x1000x128xf32, #tpu.memory_space<hbm>> -> memref<1000x128xf32, #tpu.memory_space<hbm>>
        %dma_wait3A_24 = arith.constant 0 : i32
        %dma_wait3A_25 = tpu.memref_slice %arg10[%mul3A_15, %dma_wait3A_24] : memref<10001x128xf32, #tpu.memory_space<vmem_shared>> -> memref<1000x128xf32, #tpu.memory_space<vmem_shared>>
        tpu.wait_dma2 semaphore(%run_scoped3A : memref<!tpu.dma_semaphore, #tpu.memory_space<semaphore_mem>>) src(%dma_wait3A_25 : memref<1000x128xf32, #tpu.memory_space<vmem_shared>>) dst(%dma_wait3A_23 : memref<1000x128xf32, #tpu.memory_space<hbm>>)
        tpu.yield
      }) : () -> ()
    } else {
    }
    return
  }
}

#map = affine_map<(d0, d1) -> (0, 0, 0)>
#map1 = affine_map<(d0, d1) -> (0, 0)>
module attributes {stable_mosaic.version = 14 : i64} {
  func.func @_deg_kernel_body(%arg0: i32, %arg1: i32, %arg2: memref<32x80x128xi32, #tpu.memory_space<hbm>>, %arg3: memref<128x128xf32, #tpu.memory_space<hbm>>, %arg4: memref<1000x128xf32, #tpu.memory_space<hbm>>, %arg5: memref<2x10000x128xf32, #tpu.memory_space<hbm>>, %arg6: memref<80x128xi32, #tpu.memory_space<vmem>>, %arg7: memref<128x128xf32, #tpu.memory_space<vmem>>, %arg8: memref<10001x128xf32, #tpu.memory_space<vmem_shared>>, %arg9: memref<!tpu.dma_semaphore, #tpu.memory_space<semaphore_mem>>) attributes {dimension_semantics = [#tpu.dimension_semantics<core_parallel>, #tpu.dimension_semantics<subcore_parallel>], iteration_bounds = array<i64: 2, 16>, scalar_prefetch = 0 : i64, scratch_operands = 4 : i64, tpu.core_type = #tpu.core_type<sc_vector_subcore>, window_params = [{transform_indices = #map}, {transform_indices = #map1}, {transform_indices = #map1}, {transform_indices = #map}]} {
    %mul3A = arith.constant 16 : i32
    %mul3A_0 = arith.muli %arg0, %mul3A : i32
    %add3A = arith.addi %mul3A_0, %arg1 : i32
    "tpu.region"() ({
      %run_scoped3A = tpu.sem_alloc : memref<!tpu.dma_semaphore, #tpu.memory_space<semaphore_mem>>
      %dma_start3A = arith.constant 0 : i32
      %dma_start3A_14 = arith.constant 0 : i32
      %dma_start3A_15 = tpu.memref_slice %arg2[%add3A, %dma_start3A, %dma_start3A_14] : memref<32x80x128xi32, #tpu.memory_space<hbm>> -> memref<1x80x128xi32, #tpu.memory_space<hbm>>
      %dma_start3A_16 = tpu.memref_squeeze %dma_start3A_15 : memref<1x80x128xi32, #tpu.memory_space<hbm>> -> memref<80x128xi32, #tpu.memory_space<hbm>>
      %dma_start3A_17 = arith.constant 0 : i32
      %dma_start3A_18 = arith.constant 0 : i32
      %dma_start3A_19 = tpu.memref_slice %arg2[%add3A, %dma_start3A_17, %dma_start3A_18] : memref<32x80x128xi32, #tpu.memory_space<hbm>> -> memref<1x80x128xi32, #tpu.memory_space<hbm>>
      %dma_start3A_20 = tpu.memref_squeeze %dma_start3A_19 : memref<1x80x128xi32, #tpu.memory_space<hbm>> -> memref<80x128xi32, #tpu.memory_space<hbm>>
      tpu.enqueue_dma source(%dma_start3A_20 : memref<80x128xi32, #tpu.memory_space<hbm>>) target(%arg6 : memref<80x128xi32, #tpu.memory_space<vmem>>) target_semaphore(%run_scoped3A : memref<!tpu.dma_semaphore, #tpu.memory_space<semaphore_mem>>)
      %dma_wait3A = arith.constant 0 : i32
      %dma_wait3A_21 = arith.constant 0 : i32
      %dma_wait3A_22 = tpu.memref_slice %arg2[%add3A, %dma_wait3A, %dma_wait3A_21] : memref<32x80x128xi32, #tpu.memory_space<hbm>> -> memref<1x80x128xi32, #tpu.memory_space<hbm>>
      %dma_wait3A_23 = tpu.memref_squeeze %dma_wait3A_22 : memref<1x80x128xi32, #tpu.memory_space<hbm>> -> memref<80x128xi32, #tpu.memory_space<hbm>>
      %dma_wait3A_24 = arith.constant 0 : i32
      %dma_wait3A_25 = arith.constant 0 : i32
      %dma_wait3A_26 = tpu.memref_slice %arg2[%add3A, %dma_wait3A_24, %dma_wait3A_25] : memref<32x80x128xi32, #tpu.memory_space<hbm>> -> memref<1x80x128xi32, #tpu.memory_space<hbm>>
      %dma_wait3A_27 = tpu.memref_squeeze %dma_wait3A_26 : memref<1x80x128xi32, #tpu.memory_space<hbm>> -> memref<80x128xi32, #tpu.memory_space<hbm>>
      tpu.wait_dma2 semaphore(%run_scoped3A : memref<!tpu.dma_semaphore, #tpu.memory_space<semaphore_mem>>) src(%dma_wait3A_27 : memref<80x128xi32, #tpu.memory_space<hbm>>) dst(%arg6 : memref<80x128xi32, #tpu.memory_space<vmem>>)
      tpu.yield
    }) : () -> ()
    "tpu.region"() ({
      %run_scoped3A = tpu.sem_alloc : memref<!tpu.dma_semaphore, #tpu.memory_space<semaphore_mem>>
      tpu.enqueue_dma source(%arg3 : memref<128x128xf32, #tpu.memory_space<hbm>>) target(%arg7 : memref<128x128xf32, #tpu.memory_space<vmem>>) target_semaphore(%run_scoped3A : memref<!tpu.dma_semaphore, #tpu.memory_space<semaphore_mem>>)
      tpu.wait_dma2 semaphore(%run_scoped3A : memref<!tpu.dma_semaphore, #tpu.memory_space<semaphore_mem>>) src(%arg3 : memref<128x128xf32, #tpu.memory_space<hbm>>) dst(%arg7 : memref<128x128xf32, #tpu.memory_space<vmem>>)
      tpu.yield
    }) : () -> ()
    %lt3A = arith.constant 10 : i32
    %lt3A_1 = arith.cmpi slt, %arg1, %lt3A : i32
    %convert_element_type3A = arith.extui %lt3A_1 : i1 to i32
    %cond3A = arith.constant 0 : i32
    %cond3A_2 = arith.cmpi ne, %convert_element_type3A, %cond3A : i32
    scf.if %cond3A_2 {
      %mul3A_14 = arith.constant 1000 : i32
      %mul3A_15 = arith.muli %arg1, %mul3A_14 : i32
      "tpu.region"() ({
        %run_scoped3A = tpu.sem_alloc : memref<!tpu.dma_semaphore, #tpu.memory_space<semaphore_mem>>
        %dma_start3A = arith.constant 0 : i32
        %dma_start3A_16 = tpu.memref_slice %arg8[%mul3A_15, %dma_start3A] : memref<10001x128xf32, #tpu.memory_space<vmem_shared>> -> memref<1000x128xf32, #tpu.memory_space<vmem_shared>>
        tpu.enqueue_dma source(%arg4 : memref<1000x128xf32, #tpu.memory_space<hbm>>) target(%dma_start3A_16 : memref<1000x128xf32, #tpu.memory_space<vmem_shared>>) target_semaphore(%run_scoped3A : memref<!tpu.dma_semaphore, #tpu.memory_space<semaphore_mem>>)
        %dma_wait3A = arith.constant 0 : i32
        %dma_wait3A_17 = tpu.memref_slice %arg8[%mul3A_15, %dma_wait3A] : memref<10001x128xf32, #tpu.memory_space<vmem_shared>> -> memref<1000x128xf32, #tpu.memory_space<vmem_shared>>
        tpu.wait_dma2 semaphore(%run_scoped3A : memref<!tpu.dma_semaphore, #tpu.memory_space<semaphore_mem>>) src(%arg4 : memref<1000x128xf32, #tpu.memory_space<hbm>>) dst(%dma_wait3A_17 : memref<1000x128xf32, #tpu.memory_space<vmem_shared>>)
        tpu.yield
      }) : () -> ()
    } else {
    }
    %barrier3A = arith.constant 0 : index
    tpu.barrier barrier_id(%barrier3A)
    %scan3A = arith.constant 0 : i32
    %scan3A_3 = arith.constant 0 : i32
    %scan3A_4 = arith.constant 80 : i32
    %scan3A_5 = arith.addi %scan3A_3, %scan3A_4 : i32
    %scan3A_6 = arith.constant 1 : i32
    scf.for %scan3A_14 = %scan3A_3 to %scan3A_5 step %scan3A_6  : i32 {
      "tpu.region"() ({
        %run_scoped3A = tpu.sem_alloc : memref<!tpu.dma_semaphore, #tpu.memory_space<semaphore_mem>>
        %dma_start3A = arith.constant 0 : i32
        %dma_start3A_15 = tpu.memref_slice %arg6[%scan3A_14, %dma_start3A] : memref<80x128xi32, #tpu.memory_space<vmem>> -> memref<1x128xi32, #tpu.memory_space<vmem>>
        %dma_start3A_16 = tpu.memref_squeeze %dma_start3A_15 : memref<1x128xi32, #tpu.memory_space<vmem>> -> memref<128xi32, #tpu.memory_space<vmem>>
        %dma_start3A_17 = arith.constant 0 : i32
        %dma_start3A_18 = arith.constant 0 : i32
        %dma_start3A_19 = tpu.memref_slice %arg8[%dma_start3A_17, %dma_start3A_18] : memref<10001x128xf32, #tpu.memory_space<vmem_shared>> -> memref<10001x128xf32, #tpu.memory_space<vmem_shared>>
        tpu.enqueue_indirect_dma source(%arg7 : memref<128x128xf32, #tpu.memory_space<vmem>>) target(%dma_start3A_19 : memref<10001x128xf32, #tpu.memory_space<vmem_shared>>) offsets(%dma_start3A_16 : memref<128xi32, #tpu.memory_space<vmem>>) semaphore(%run_scoped3A : memref<!tpu.dma_semaphore, #tpu.memory_space<semaphore_mem>>) {add = true}
        %dma_wait3A = arith.constant 0 : i32
        %dma_wait3A_20 = tpu.memref_slice %arg6[%scan3A_14, %dma_wait3A] : memref<80x128xi32, #tpu.memory_space<vmem>> -> memref<1x128xi32, #tpu.memory_space<vmem>>
        %dma_wait3A_21 = tpu.memref_squeeze %dma_wait3A_20 : memref<1x128xi32, #tpu.memory_space<vmem>> -> memref<128xi32, #tpu.memory_space<vmem>>
        %dma_wait3A_22 = arith.constant 0 : i32
        %dma_wait3A_23 = arith.constant 0 : i32
        %dma_wait3A_24 = tpu.memref_slice %arg8[%dma_wait3A_22, %dma_wait3A_23] : memref<10001x128xf32, #tpu.memory_space<vmem_shared>> -> memref<10001x128xf32, #tpu.memory_space<vmem_shared>>
        tpu.wait_indirect_dma semaphore(%run_scoped3A : memref<!tpu.dma_semaphore, #tpu.memory_space<semaphore_mem>>) src(%arg7 : memref<128x128xf32, #tpu.memory_space<vmem>>) dst(%dma_wait3A_24 : memref<10001x128xf32, #tpu.memory_space<vmem_shared>>)
        tpu.yield
      }) : () -> ()
    }
    %scan3A_7 = arith.constant 80 : i32
    %barrier3A_8 = arith.constant 0 : index
    tpu.barrier barrier_id(%barrier3A_8)
    %lt3A_9 = arith.constant 10 : i32
    %lt3A_10 = arith.cmpi slt, %arg1, %lt3A_9 : i32
    %convert_element_type3A_11 = arith.extui %lt3A_10 : i1 to i32
    %cond3A_12 = arith.constant 0 : i32
    %cond3A_13 = arith.cmpi ne, %convert_element_type3A_11, %cond3A_12 : i32
    scf.if %cond3A_13 {
      %mul3A_14 = arith.constant 1000 : i32
      %mul3A_15 = arith.muli %arg1, %mul3A_14 : i32
      %mul3A_16 = arith.constant 1000 : i32
      %mul3A_17 = arith.muli %arg1, %mul3A_16 : i32
      "tpu.region"() ({
        %run_scoped3A = tpu.sem_alloc : memref<!tpu.dma_semaphore, #tpu.memory_space<semaphore_mem>>
        %dma_start3A = arith.constant 0 : i32
        %dma_start3A_18 = tpu.memref_slice %arg5[%arg0, %mul3A_17, %dma_start3A] : memref<2x10000x128xf32, #tpu.memory_space<hbm>> -> memref<1x1000x128xf32, #tpu.memory_space<hbm>>
        %dma_start3A_19 = tpu.memref_squeeze %dma_start3A_18 : memref<1x1000x128xf32, #tpu.memory_space<hbm>> -> memref<1000x128xf32, #tpu.memory_space<hbm>>
        %dma_start3A_20 = arith.constant 0 : i32
        %dma_start3A_21 = tpu.memref_slice %arg8[%mul3A_15, %dma_start3A_20] : memref<10001x128xf32, #tpu.memory_space<vmem_shared>> -> memref<1000x128xf32, #tpu.memory_space<vmem_shared>>
        tpu.enqueue_dma source(%dma_start3A_21 : memref<1000x128xf32, #tpu.memory_space<vmem_shared>>) target(%dma_start3A_19 : memref<1000x128xf32, #tpu.memory_space<hbm>>) target_semaphore(%run_scoped3A : memref<!tpu.dma_semaphore, #tpu.memory_space<semaphore_mem>>)
        %dma_wait3A = arith.constant 0 : i32
        %dma_wait3A_22 = tpu.memref_slice %arg5[%arg0, %mul3A_17, %dma_wait3A] : memref<2x10000x128xf32, #tpu.memory_space<hbm>> -> memref<1x1000x128xf32, #tpu.memory_space<hbm>>
        %dma_wait3A_23 = tpu.memref_squeeze %dma_wait3A_22 : memref<1x1000x128xf32, #tpu.memory_space<hbm>> -> memref<1000x128xf32, #tpu.memory_space<hbm>>
        %dma_wait3A_24 = arith.constant 0 : i32
        %dma_wait3A_25 = tpu.memref_slice %arg8[%mul3A_15, %dma_wait3A_24] : memref<10001x128xf32, #tpu.memory_space<vmem_shared>> -> memref<1000x128xf32, #tpu.memory_space<vmem_shared>>
        tpu.wait_dma2 semaphore(%run_scoped3A : memref<!tpu.dma_semaphore, #tpu.memory_space<semaphore_mem>>) src(%dma_wait3A_25 : memref<1000x128xf32, #tpu.memory_space<vmem_shared>>) dst(%dma_wait3A_23 : memref<1000x128xf32, #tpu.memory_space<hbm>>)
        tpu.yield
      }) : () -> ()
    } else {
    }
    return
  }
}

#map = affine_map<(d0, d1) -> (0, 0)>
#map1 = affine_map<(d0, d1) -> (0, 0, 0)>
module attributes {stable_mosaic.version = 14 : i64} {
  func.func @_scatter_kernel_body(%arg0: i32, %arg1: i32, %arg2: memref<10000x128xf32, #tpu.memory_space<hbm>>, %arg3: memref<32x80x128xi32, #tpu.memory_space<hbm>>, %arg4: memref<32x80x128xi32, #tpu.memory_space<hbm>>, %arg5: memref<1000x128xf32, #tpu.memory_space<hbm>>, %arg6: memref<2x10000x128xf32, #tpu.memory_space<hbm>>, %arg7: memref<80x128xi32, #tpu.memory_space<vmem>>, %arg8: memref<80x128xi32, #tpu.memory_space<vmem>>, %arg9: memref<128x128xf32, #tpu.memory_space<vmem>>, %arg10: memref<10001x128xf32, #tpu.memory_space<vmem_shared>>) attributes {dimension_semantics = [#tpu.dimension_semantics<core_parallel>, #tpu.dimension_semantics<subcore_parallel>], iteration_bounds = array<i64: 2, 16>, scalar_prefetch = 0 : i64, scratch_operands = 4 : i64, tpu.core_type = #tpu.core_type<sc_vector_subcore>, window_params = [{transform_indices = #map}, {transform_indices = #map1}, {transform_indices = #map1}, {transform_indices = #map}, {transform_indices = #map1}]} {
    %mul3A = arith.constant 16 : i32
    %mul3A_0 = arith.muli %arg0, %mul3A : i32
    %add3A = arith.addi %mul3A_0, %arg1 : i32
    "tpu.region"() ({
      %run_scoped3A = tpu.sem_alloc : memref<!tpu.dma_semaphore, #tpu.memory_space<semaphore_mem>>
      %dma_start3A = arith.constant 0 : i32
      %dma_start3A_14 = arith.constant 0 : i32
      %dma_start3A_15 = tpu.memref_slice %arg3[%add3A, %dma_start3A, %dma_start3A_14] : memref<32x80x128xi32, #tpu.memory_space<hbm>> -> memref<1x80x128xi32, #tpu.memory_space<hbm>>
      %dma_start3A_16 = tpu.memref_squeeze %dma_start3A_15 : memref<1x80x128xi32, #tpu.memory_space<hbm>> -> memref<80x128xi32, #tpu.memory_space<hbm>>
      %dma_start3A_17 = arith.constant 0 : i32
      %dma_start3A_18 = arith.constant 0 : i32
      %dma_start3A_19 = tpu.memref_slice %arg3[%add3A, %dma_start3A_17, %dma_start3A_18] : memref<32x80x128xi32, #tpu.memory_space<hbm>> -> memref<1x80x128xi32, #tpu.memory_space<hbm>>
      %dma_start3A_20 = tpu.memref_squeeze %dma_start3A_19 : memref<1x80x128xi32, #tpu.memory_space<hbm>> -> memref<80x128xi32, #tpu.memory_space<hbm>>
      tpu.enqueue_dma source(%dma_start3A_20 : memref<80x128xi32, #tpu.memory_space<hbm>>) target(%arg7 : memref<80x128xi32, #tpu.memory_space<vmem>>) target_semaphore(%run_scoped3A : memref<!tpu.dma_semaphore, #tpu.memory_space<semaphore_mem>>)
      %dma_wait3A = arith.constant 0 : i32
      %dma_wait3A_21 = arith.constant 0 : i32
      %dma_wait3A_22 = tpu.memref_slice %arg3[%add3A, %dma_wait3A, %dma_wait3A_21] : memref<32x80x128xi32, #tpu.memory_space<hbm>> -> memref<1x80x128xi32, #tpu.memory_space<hbm>>
      %dma_wait3A_23 = tpu.memref_squeeze %dma_wait3A_22 : memref<1x80x128xi32, #tpu.memory_space<hbm>> -> memref<80x128xi32, #tpu.memory_space<hbm>>
      %dma_wait3A_24 = arith.constant 0 : i32
      %dma_wait3A_25 = arith.constant 0 : i32
      %dma_wait3A_26 = tpu.memref_slice %arg3[%add3A, %dma_wait3A_24, %dma_wait3A_25] : memref<32x80x128xi32, #tpu.memory_space<hbm>> -> memref<1x80x128xi32, #tpu.memory_space<hbm>>
      %dma_wait3A_27 = tpu.memref_squeeze %dma_wait3A_26 : memref<1x80x128xi32, #tpu.memory_space<hbm>> -> memref<80x128xi32, #tpu.memory_space<hbm>>
      tpu.wait_dma2 semaphore(%run_scoped3A : memref<!tpu.dma_semaphore, #tpu.memory_space<semaphore_mem>>) src(%dma_wait3A_27 : memref<80x128xi32, #tpu.memory_space<hbm>>) dst(%arg7 : memref<80x128xi32, #tpu.memory_space<vmem>>)
      tpu.yield
    }) : () -> ()
    "tpu.region"() ({
      %run_scoped3A = tpu.sem_alloc : memref<!tpu.dma_semaphore, #tpu.memory_space<semaphore_mem>>
      %dma_start3A = arith.constant 0 : i32
      %dma_start3A_14 = arith.constant 0 : i32
      %dma_start3A_15 = tpu.memref_slice %arg4[%add3A, %dma_start3A, %dma_start3A_14] : memref<32x80x128xi32, #tpu.memory_space<hbm>> -> memref<1x80x128xi32, #tpu.memory_space<hbm>>
      %dma_start3A_16 = tpu.memref_squeeze %dma_start3A_15 : memref<1x80x128xi32, #tpu.memory_space<hbm>> -> memref<80x128xi32, #tpu.memory_space<hbm>>
      %dma_start3A_17 = arith.constant 0 : i32
      %dma_start3A_18 = arith.constant 0 : i32
      %dma_start3A_19 = tpu.memref_slice %arg4[%add3A, %dma_start3A_17, %dma_start3A_18] : memref<32x80x128xi32, #tpu.memory_space<hbm>> -> memref<1x80x128xi32, #tpu.memory_space<hbm>>
      %dma_start3A_20 = tpu.memref_squeeze %dma_start3A_19 : memref<1x80x128xi32, #tpu.memory_space<hbm>> -> memref<80x128xi32, #tpu.memory_space<hbm>>
      tpu.enqueue_dma source(%dma_start3A_20 : memref<80x128xi32, #tpu.memory_space<hbm>>) target(%arg8 : memref<80x128xi32, #tpu.memory_space<vmem>>) target_semaphore(%run_scoped3A : memref<!tpu.dma_semaphore, #tpu.memory_space<semaphore_mem>>)
      %dma_wait3A = arith.constant 0 : i32
      %dma_wait3A_21 = arith.constant 0 : i32
      %dma_wait3A_22 = tpu.memref_slice %arg4[%add3A, %dma_wait3A, %dma_wait3A_21] : memref<32x80x128xi32, #tpu.memory_space<hbm>> -> memref<1x80x128xi32, #tpu.memory_space<hbm>>
      %dma_wait3A_23 = tpu.memref_squeeze %dma_wait3A_22 : memref<1x80x128xi32, #tpu.memory_space<hbm>> -> memref<80x128xi32, #tpu.memory_space<hbm>>
      %dma_wait3A_24 = arith.constant 0 : i32
      %dma_wait3A_25 = arith.constant 0 : i32
      %dma_wait3A_26 = tpu.memref_slice %arg4[%add3A, %dma_wait3A_24, %dma_wait3A_25] : memref<32x80x128xi32, #tpu.memory_space<hbm>> -> memref<1x80x128xi32, #tpu.memory_space<hbm>>
      %dma_wait3A_27 = tpu.memref_squeeze %dma_wait3A_26 : memref<1x80x128xi32, #tpu.memory_space<hbm>> -> memref<80x128xi32, #tpu.memory_space<hbm>>
      tpu.wait_dma2 semaphore(%run_scoped3A : memref<!tpu.dma_semaphore, #tpu.memory_space<semaphore_mem>>) src(%dma_wait3A_27 : memref<80x128xi32, #tpu.memory_space<hbm>>) dst(%arg8 : memref<80x128xi32, #tpu.memory_space<vmem>>)
      tpu.yield
    }) : () -> ()
    %lt3A = arith.constant 10 : i32
    %lt3A_1 = arith.cmpi slt, %arg1, %lt3A : i32
    %convert_element_type3A = arith.extui %lt3A_1 : i1 to i32
    %cond3A = arith.constant 0 : i32
    %cond3A_2 = arith.cmpi ne, %convert_element_type3A, %cond3A : i32
    scf.if %cond3A_2 {
      %mul3A_14 = arith.constant 1000 : i32
      %mul3A_15 = arith.muli %arg1, %mul3A_14 : i32
      "tpu.region"() ({
        %run_scoped3A = tpu.sem_alloc : memref<!tpu.dma_semaphore, #tpu.memory_space<semaphore_mem>>
        %dma_start3A = arith.constant 0 : i32
        %dma_start3A_16 = tpu.memref_slice %arg10[%mul3A_15, %dma_start3A] : memref<10001x128xf32, #tpu.memory_space<vmem_shared>> -> memref<1000x128xf32, #tpu.memory_space<vmem_shared>>
        tpu.enqueue_dma source(%arg5 : memref<1000x128xf32, #tpu.memory_space<hbm>>) target(%dma_start3A_16 : memref<1000x128xf32, #tpu.memory_space<vmem_shared>>) target_semaphore(%run_scoped3A : memref<!tpu.dma_semaphore, #tpu.memory_space<semaphore_mem>>)
        %dma_wait3A = arith.constant 0 : i32
        %dma_wait3A_17 = tpu.memref_slice %arg10[%mul3A_15, %dma_wait3A] : memref<10001x128xf32, #tpu.memory_space<vmem_shared>> -> memref<1000x128xf32, #tpu.memory_space<vmem_shared>>
        tpu.wait_dma2 semaphore(%run_scoped3A : memref<!tpu.dma_semaphore, #tpu.memory_space<semaphore_mem>>) src(%arg5 : memref<1000x128xf32, #tpu.memory_space<hbm>>) dst(%dma_wait3A_17 : memref<1000x128xf32, #tpu.memory_space<vmem_shared>>)
        tpu.yield
      }) : () -> ()
    } else {
    }
    %barrier3A = arith.constant 0 : index
    tpu.barrier barrier_id(%barrier3A)
    %scan3A = arith.constant 0 : i32
    %scan3A_3 = arith.constant 0 : i32
    %scan3A_4 = arith.constant 80 : i32
    %scan3A_5 = arith.addi %scan3A_3, %scan3A_4 : i32
    %scan3A_6 = arith.constant 1 : i32
    scf.for %scan3A_14 = %scan3A_3 to %scan3A_5 step %scan3A_6  : i32 {
      "tpu.region"() ({
        %run_scoped3A = tpu.sem_alloc : memref<!tpu.dma_semaphore, #tpu.memory_space<semaphore_mem>>
        %dma_start3A = arith.constant 0 : i32
        %dma_start3A_15 = tpu.memref_slice %arg7[%scan3A_14, %dma_start3A] : memref<80x128xi32, #tpu.memory_space<vmem>> -> memref<1x128xi32, #tpu.memory_space<vmem>>
        %dma_start3A_16 = tpu.memref_squeeze %dma_start3A_15 : memref<1x128xi32, #tpu.memory_space<vmem>> -> memref<128xi32, #tpu.memory_space<vmem>>
        %dma_start3A_17 = arith.constant 0 : i32
        %dma_start3A_18 = arith.constant 0 : i32
        %dma_start3A_19 = tpu.memref_slice %arg2[%dma_start3A_17, %dma_start3A_18] : memref<10000x128xf32, #tpu.memory_space<hbm>> -> memref<10000x128xf32, #tpu.memory_space<hbm>>
        tpu.enqueue_indirect_dma source(%dma_start3A_19 : memref<10000x128xf32, #tpu.memory_space<hbm>>) target(%arg9 : memref<128x128xf32, #tpu.memory_space<vmem>>) offsets(%dma_start3A_16 : memref<128xi32, #tpu.memory_space<vmem>>) semaphore(%run_scoped3A : memref<!tpu.dma_semaphore, #tpu.memory_space<semaphore_mem>>)
        %dma_wait3A = arith.constant 0 : i32
        %dma_wait3A_20 = tpu.memref_slice %arg7[%scan3A_14, %dma_wait3A] : memref<80x128xi32, #tpu.memory_space<vmem>> -> memref<1x128xi32, #tpu.memory_space<vmem>>
        %dma_wait3A_21 = tpu.memref_squeeze %dma_wait3A_20 : memref<1x128xi32, #tpu.memory_space<vmem>> -> memref<128xi32, #tpu.memory_space<vmem>>
        %dma_wait3A_22 = arith.constant 0 : i32
        %dma_wait3A_23 = arith.constant 0 : i32
        %dma_wait3A_24 = tpu.memref_slice %arg2[%dma_wait3A_22, %dma_wait3A_23] : memref<10000x128xf32, #tpu.memory_space<hbm>> -> memref<10000x128xf32, #tpu.memory_space<hbm>>
        tpu.wait_indirect_dma semaphore(%run_scoped3A : memref<!tpu.dma_semaphore, #tpu.memory_space<semaphore_mem>>) src(%dma_wait3A_24 : memref<10000x128xf32, #tpu.memory_space<hbm>>) dst(%arg9 : memref<128x128xf32, #tpu.memory_space<vmem>>)
        tpu.yield
      }) : () -> ()
      "tpu.region"() ({
        %run_scoped3A = tpu.sem_alloc : memref<!tpu.dma_semaphore, #tpu.memory_space<semaphore_mem>>
        %dma_start3A = arith.constant 0 : i32
        %dma_start3A_15 = tpu.memref_slice %arg8[%scan3A_14, %dma_start3A] : memref<80x128xi32, #tpu.memory_space<vmem>> -> memref<1x128xi32, #tpu.memory_space<vmem>>
        %dma_start3A_16 = tpu.memref_squeeze %dma_start3A_15 : memref<1x128xi32, #tpu.memory_space<vmem>> -> memref<128xi32, #tpu.memory_space<vmem>>
        %dma_start3A_17 = arith.constant 0 : i32
        %dma_start3A_18 = arith.constant 0 : i32
        %dma_start3A_19 = tpu.memref_slice %arg10[%dma_start3A_17, %dma_start3A_18] : memref<10001x128xf32, #tpu.memory_space<vmem_shared>> -> memref<10001x128xf32, #tpu.memory_space<vmem_shared>>
        tpu.enqueue_indirect_dma source(%arg9 : memref<128x128xf32, #tpu.memory_space<vmem>>) target(%dma_start3A_19 : memref<10001x128xf32, #tpu.memory_space<vmem_shared>>) offsets(%dma_start3A_16 : memref<128xi32, #tpu.memory_space<vmem>>) semaphore(%run_scoped3A : memref<!tpu.dma_semaphore, #tpu.memory_space<semaphore_mem>>) {add = true}
        %dma_wait3A = arith.constant 0 : i32
        %dma_wait3A_20 = tpu.memref_slice %arg8[%scan3A_14, %dma_wait3A] : memref<80x128xi32, #tpu.memory_space<vmem>> -> memref<1x128xi32, #tpu.memory_space<vmem>>
        %dma_wait3A_21 = tpu.memref_squeeze %dma_wait3A_20 : memref<1x128xi32, #tpu.memory_space<vmem>> -> memref<128xi32, #tpu.memory_space<vmem>>
        %dma_wait3A_22 = arith.constant 0 : i32
        %dma_wait3A_23 = arith.constant 0 : i32
        %dma_wait3A_24 = tpu.memref_slice %arg10[%dma_wait3A_22, %dma_wait3A_23] : memref<10001x128xf32, #tpu.memory_space<vmem_shared>> -> memref<10001x128xf32, #tpu.memory_space<vmem_shared>>
        tpu.wait_indirect_dma semaphore(%run_scoped3A : memref<!tpu.dma_semaphore, #tpu.memory_space<semaphore_mem>>) src(%arg9 : memref<128x128xf32, #tpu.memory_space<vmem>>) dst(%dma_wait3A_24 : memref<10001x128xf32, #tpu.memory_space<vmem_shared>>)
        tpu.yield
      }) : () -> ()
    }
    %scan3A_7 = arith.constant 80 : i32
    %barrier3A_8 = arith.constant 0 : index
    tpu.barrier barrier_id(%barrier3A_8)
    %lt3A_9 = arith.constant 10 : i32
    %lt3A_10 = arith.cmpi slt, %arg1, %lt3A_9 : i32
    %convert_element_type3A_11 = arith.extui %lt3A_10 : i1 to i32
    %cond3A_12 = arith.constant 0 : i32
    %cond3A_13 = arith.cmpi ne, %convert_element_type3A_11, %cond3A_12 : i32
    scf.if %cond3A_13 {
      %mul3A_14 = arith.constant 1000 : i32
      %mul3A_15 = arith.muli %arg1, %mul3A_14 : i32
      %mul3A_16 = arith.constant 1000 : i32
      %mul3A_17 = arith.muli %arg1, %mul3A_16 : i32
      "tpu.region"() ({
        %run_scoped3A = tpu.sem_alloc : memref<!tpu.dma_semaphore, #tpu.memory_space<semaphore_mem>>
        %dma_start3A = arith.constant 0 : i32
        %dma_start3A_18 = tpu.memref_slice %arg6[%arg0, %mul3A_17, %dma_start3A] : memref<2x10000x128xf32, #tpu.memory_space<hbm>> -> memref<1x1000x128xf32, #tpu.memory_space<hbm>>
        %dma_start3A_19 = tpu.memref_squeeze %dma_start3A_18 : memref<1x1000x128xf32, #tpu.memory_space<hbm>> -> memref<1000x128xf32, #tpu.memory_space<hbm>>
        %dma_start3A_20 = arith.constant 0 : i32
        %dma_start3A_21 = tpu.memref_slice %arg10[%mul3A_15, %dma_start3A_20] : memref<10001x128xf32, #tpu.memory_space<vmem_shared>> -> memref<1000x128xf32, #tpu.memory_space<vmem_shared>>
        tpu.enqueue_dma source(%dma_start3A_21 : memref<1000x128xf32, #tpu.memory_space<vmem_shared>>) target(%dma_start3A_19 : memref<1000x128xf32, #tpu.memory_space<hbm>>) target_semaphore(%run_scoped3A : memref<!tpu.dma_semaphore, #tpu.memory_space<semaphore_mem>>)
        %dma_wait3A = arith.constant 0 : i32
        %dma_wait3A_22 = tpu.memref_slice %arg6[%arg0, %mul3A_17, %dma_wait3A] : memref<2x10000x128xf32, #tpu.memory_space<hbm>> -> memref<1x1000x128xf32, #tpu.memory_space<hbm>>
        %dma_wait3A_23 = tpu.memref_squeeze %dma_wait3A_22 : memref<1x1000x128xf32, #tpu.memory_space<hbm>> -> memref<1000x128xf32, #tpu.memory_space<hbm>>
        %dma_wait3A_24 = arith.constant 0 : i32
        %dma_wait3A_25 = tpu.memref_slice %arg10[%mul3A_15, %dma_wait3A_24] : memref<10001x128xf32, #tpu.memory_space<vmem_shared>> -> memref<1000x128xf32, #tpu.memory_space<vmem_shared>>
        tpu.wait_dma2 semaphore(%run_scoped3A : memref<!tpu.dma_semaphore, #tpu.memory_space<semaphore_mem>>) src(%dma_wait3A_25 : memref<1000x128xf32, #tpu.memory_space<vmem_shared>>) dst(%dma_wait3A_23 : memref<1000x128xf32, #tpu.memory_space<hbm>>)
        tpu.yield
      }) : () -> ()
    } else {
    }
    return
  }
}

module attributes {stable_mosaic.version = 14 : i64} {
  func.func @_tc_first(%arg0: memref<2x10000x128xf32, #tpu.memory_space<vmem>>, %arg1: memref<10000x128xf32, #tpu.memory_space<vmem>>, %arg2: memref<128x128xf32, #tpu.memory_space<vmem>>, %arg3: memref<10000x128xf32, #tpu.memory_space<vmem>>) attributes {dimension_semantics = [], scalar_prefetch = 0 : i64, scratch_operands = 0 : i64, tpu.core_type = #tpu.core_type<tc>} {
    %get3A = arith.constant 0 : index
    %get3A_0 = arith.constant 0 : index
    %get3A_1 = arith.constant 0 : index
    %get3A_2 = vector.load %arg0[%get3A, %get3A_0, %get3A_1] : memref<2x10000x128xf32, #tpu.memory_space<vmem>>, vector<1x10000x1xf32>
    %get3A_3 = vector.shape_cast %get3A_2 : vector<1x10000x1xf32> to vector<10000x1xf32>
    %get3A_4 = arith.constant 1 : index
    %get3A_5 = arith.constant 0 : index
    %get3A_6 = arith.constant 0 : index
    %get3A_7 = vector.load %arg0[%get3A_4, %get3A_5, %get3A_6] : memref<2x10000x128xf32, #tpu.memory_space<vmem>>, vector<1x10000x1xf32>
    %get3A_8 = vector.shape_cast %get3A_7 : vector<1x10000x1xf32> to vector<10000x1xf32>
    %add3A = arith.addf %get3A_3, %get3A_8 : vector<10000x1xf32>
    %add3A_9 = arith.constant 1.000000e+00 : f32
    %add3A_10 = vector.broadcast %add3A_9 : f32 to vector<10000x1xf32>
    %add3A_11 = arith.addf %add3A, %add3A_10 : vector<10000x1xf32>
    %rsqrt3A = math.rsqrt %add3A_11 : vector<10000x1xf32>
    %get3A_12 = arith.constant 0 : index
    %get3A_13 = arith.constant 0 : index
    %get3A_14 = vector.load %arg1[%get3A_12, %get3A_13] : memref<10000x128xf32, #tpu.memory_space<vmem>>, vector<10000x128xf32>
    %get3A_15 = arith.constant 0 : index
    %get3A_16 = arith.constant 0 : index
    %get3A_17 = vector.load %arg2[%get3A_15, %get3A_16] : memref<128x128xf32, #tpu.memory_space<vmem>>, vector<128x128xf32>
    %dot_general3A = arith.constant dense<0.000000e+00> : vector<10000x128xf32>
    %dot_general3A_18 = tpu.matmul %get3A_14, %get3A_17, %dot_general3A {dimension_numbers = #tpu.dot_dimension_numbers<[1], [0], [0], [1], [0, 0, 1, 1], [], []>, transpose_lhs_hint = false} : vector<10000x128xf32>, vector<128x128xf32>, vector<10000x128xf32> -> vector<10000x128xf32>
    %mul3A = vector.broadcast %rsqrt3A : vector<10000x1xf32> to vector<10000x128xf32>
    %mul3A_19 = arith.mulf %dot_general3A_18, %mul3A : vector<10000x128xf32>
    %swap3A = arith.constant 0 : index
    %swap3A_20 = arith.constant 0 : index
    %swap3A_21 = vector.load %arg3[%swap3A, %swap3A_20] : memref<10000x128xf32, #tpu.memory_space<vmem>>, vector<10000x128xf32>
    tpu.vector_store %arg3[%swap3A, %swap3A_20], %mul3A_19 {strides = array<i32>} : memref<10000x128xf32, #tpu.memory_space<vmem>>, vector<10000x128xf32>,
    return
  }
}

module attributes {stable_mosaic.version = 14 : i64} {
  func.func @_tc_mid(%arg0: memref<2x10000x128xf32, #tpu.memory_space<vmem>>, %arg1: memref<10000x128xf32, #tpu.memory_space<vmem>>, %arg2: memref<2x10000x128xf32, #tpu.memory_space<vmem>>, %arg3: memref<1x128xf32, #tpu.memory_space<vmem>>, %arg4: memref<128x128xf32, #tpu.memory_space<vmem>>, %arg5: memref<10000x128xf32, #tpu.memory_space<vmem>>) attributes {dimension_semantics = [], scalar_prefetch = 0 : i64, scratch_operands = 0 : i64, tpu.core_type = #tpu.core_type<tc>} {
    %get3A = arith.constant 0 : index
    %get3A_0 = arith.constant 0 : index
    %get3A_1 = arith.constant 0 : index
    %get3A_2 = vector.load %arg2[%get3A, %get3A_0, %get3A_1] : memref<2x10000x128xf32, #tpu.memory_space<vmem>>, vector<1x10000x1xf32>
    %get3A_3 = vector.shape_cast %get3A_2 : vector<1x10000x1xf32> to vector<10000x1xf32>
    %get3A_4 = arith.constant 1 : index
    %get3A_5 = arith.constant 0 : index
    %get3A_6 = arith.constant 0 : index
    %get3A_7 = vector.load %arg2[%get3A_4, %get3A_5, %get3A_6] : memref<2x10000x128xf32, #tpu.memory_space<vmem>>, vector<1x10000x1xf32>
    %get3A_8 = vector.shape_cast %get3A_7 : vector<1x10000x1xf32> to vector<10000x1xf32>
    %add3A = arith.addf %get3A_3, %get3A_8 : vector<10000x1xf32>
    %add3A_9 = arith.constant 1.000000e+00 : f32
    %add3A_10 = vector.broadcast %add3A_9 : f32 to vector<10000x1xf32>
    %add3A_11 = arith.addf %add3A, %add3A_10 : vector<10000x1xf32>
    %rsqrt3A = math.rsqrt %add3A_11 : vector<10000x1xf32>
    %get3A_12 = arith.constant 0 : index
    %get3A_13 = arith.constant 0 : index
    %get3A_14 = arith.constant 0 : index
    %get3A_15 = vector.load %arg0[%get3A_12, %get3A_13, %get3A_14] : memref<2x10000x128xf32, #tpu.memory_space<vmem>>, vector<1x10000x128xf32>
    %get3A_16 = vector.shape_cast %get3A_15 : vector<1x10000x128xf32> to vector<10000x128xf32>
    %get3A_17 = arith.constant 1 : index
    %get3A_18 = arith.constant 0 : index
    %get3A_19 = arith.constant 0 : index
    %get3A_20 = vector.load %arg0[%get3A_17, %get3A_18, %get3A_19] : memref<2x10000x128xf32, #tpu.memory_space<vmem>>, vector<1x10000x128xf32>
    %get3A_21 = vector.shape_cast %get3A_20 : vector<1x10000x128xf32> to vector<10000x128xf32>
    %add3A_22 = arith.addf %get3A_16, %get3A_21 : vector<10000x128xf32>
    %get3A_23 = arith.constant 0 : index
    %get3A_24 = arith.constant 0 : index
    %get3A_25 = vector.load %arg1[%get3A_23, %get3A_24] : memref<10000x128xf32, #tpu.memory_space<vmem>>, vector<10000x128xf32>
    %add3A_26 = arith.addf %add3A_22, %get3A_25 : vector<10000x128xf32>
    %mul3A = vector.broadcast %rsqrt3A : vector<10000x1xf32> to vector<10000x128xf32>
    %mul3A_27 = arith.mulf %add3A_26, %mul3A : vector<10000x128xf32>
    %get3A_28 = arith.constant 0 : index
    %get3A_29 = arith.constant 0 : index
    %get3A_30 = vector.load %arg3[%get3A_28, %get3A_29] : memref<1x128xf32, #tpu.memory_space<vmem>>, vector<1x128xf32>
    %add3A_31 = vector.broadcast %get3A_30 : vector<1x128xf32> to vector<10000x128xf32>
    %add3A_32 = arith.addf %mul3A_27, %add3A_31 : vector<10000x128xf32>
    %reduce_sum3A = arith.constant dense<0.000000e+00> : vector<128xf32>
    %reduce_sum3A_33 = vector.multi_reduction <add>, %add3A_32, %reduce_sum3A [0] : vector<10000x128xf32> to vector<128xf32>
    %broadcast_in_dim3A = vector.shape_cast %reduce_sum3A_33 : vector<128xf32> to vector<1x128xf32>
    %div3A = arith.constant 1.000000e+04 : f32
    %div3A_34 = vector.broadcast %div3A : f32 to vector<1x128xf32>
    %div3A_35 = arith.divf %broadcast_in_dim3A, %div3A_34 : vector<1x128xf32>
    %sub3A = vector.broadcast %div3A_35 : vector<1x128xf32> to vector<10000x128xf32>
    %sub3A_36 = arith.subf %add3A_32, %sub3A : vector<10000x128xf32>
    %mul3A_37 = arith.mulf %sub3A_36, %sub3A_36 : vector<10000x128xf32>
    %reduce_sum3A_38 = arith.constant dense<0.000000e+00> : vector<128xf32>
    %reduce_sum3A_39 = vector.multi_reduction <add>, %mul3A_37, %reduce_sum3A_38 [0] : vector<10000x128xf32> to vector<128xf32>
    %broadcast_in_dim3A_40 = vector.shape_cast %reduce_sum3A_39 : vector<128xf32> to vector<1x128xf32>
    %div3A_41 = arith.constant 1.000000e+04 : f32
    %div3A_42 = vector.broadcast %div3A_41 : f32 to vector<1x128xf32>
    %div3A_43 = arith.divf %broadcast_in_dim3A_40, %div3A_42 : vector<1x128xf32>
    %add3A_44 = arith.constant 9.99999974E-6 : f32
    %add3A_45 = vector.broadcast %add3A_44 : f32 to vector<1x128xf32>
    %add3A_46 = arith.addf %div3A_43, %add3A_45 : vector<1x128xf32>
    %rsqrt3A_47 = math.rsqrt %add3A_46 : vector<1x128xf32>
    %mul3A_48 = vector.broadcast %rsqrt3A_47 : vector<1x128xf32> to vector<10000x128xf32>
    %mul3A_49 = arith.mulf %sub3A_36, %mul3A_48 : vector<10000x128xf32>
    %max3A = arith.constant 0.000000e+00 : f32
    %max3A_50 = vector.broadcast %max3A : f32 to vector<10000x128xf32>
    %max3A_51 = arith.maximumf %mul3A_49, %max3A_50 : vector<10000x128xf32>
    %get3A_52 = arith.constant 0 : index
    %get3A_53 = arith.constant 0 : index
    %get3A_54 = vector.load %arg4[%get3A_52, %get3A_53] : memref<128x128xf32, #tpu.memory_space<vmem>>, vector<128x128xf32>
    %dot_general3A = arith.constant dense<0.000000e+00> : vector<10000x128xf32>
    %dot_general3A_55 = tpu.matmul %max3A_51, %get3A_54, %dot_general3A {dimension_numbers = #tpu.dot_dimension_numbers<[1], [0], [0], [1], [0, 0, 1, 1], [], []>, transpose_lhs_hint = false} : vector<10000x128xf32>, vector<128x128xf32>, vector<10000x128xf32> -> vector<10000x128xf32>
    %mul3A_56 = vector.broadcast %rsqrt3A : vector<10000x1xf32> to vector<10000x128xf32>
    %mul3A_57 = arith.mulf %dot_general3A_55, %mul3A_56 : vector<10000x128xf32>
    %swap3A = arith.constant 0 : index
    %swap3A_58 = arith.constant 0 : index
    %swap3A_59 = vector.load %arg5[%swap3A, %swap3A_58] : memref<10000x128xf32, #tpu.memory_space<vmem>>, vector<10000x128xf32>
    tpu.vector_store %arg5[%swap3A, %swap3A_58], %mul3A_57 {strides = array<i32>} : memref<10000x128xf32, #tpu.memory_space<vmem>>, vector<10000x128xf32>,
    return
  }
}

module attributes {stable_mosaic.version = 14 : i64} {
  func.func @_tc_head(%arg0: memref<2x10000x128xf32, #tpu.memory_space<vmem>>, %arg1: memref<10000x128xf32, #tpu.memory_space<vmem>>, %arg2: memref<2x10000x128xf32, #tpu.memory_space<vmem>>, %arg3: memref<1x128xf32, #tpu.memory_space<vmem>>, %arg4: memref<128x128xf32, #tpu.memory_space<vmem>>, %arg5: memref<1x128xf32, #tpu.memory_space<vmem>>, %arg6: memref<128x8xf32, #tpu.memory_space<vmem>>, %arg7: memref<1x8xf32, #tpu.memory_space<vmem>>, %arg8: memref<10000x8xf32, #tpu.memory_space<vmem>>) attributes {dimension_semantics = [], scalar_prefetch = 0 : i64, scratch_operands = 0 : i64, tpu.core_type = #tpu.core_type<tc>} {
    %get3A = arith.constant 0 : index
    %get3A_0 = arith.constant 0 : index
    %get3A_1 = arith.constant 0 : index
    %get3A_2 = vector.load %arg2[%get3A, %get3A_0, %get3A_1] : memref<2x10000x128xf32, #tpu.memory_space<vmem>>, vector<1x10000x1xf32>
    %get3A_3 = vector.shape_cast %get3A_2 : vector<1x10000x1xf32> to vector<10000x1xf32>
    %get3A_4 = arith.constant 1 : index
    %get3A_5 = arith.constant 0 : index
    %get3A_6 = arith.constant 0 : index
    %get3A_7 = vector.load %arg2[%get3A_4, %get3A_5, %get3A_6] : memref<2x10000x128xf32, #tpu.memory_space<vmem>>, vector<1x10000x1xf32>
    %get3A_8 = vector.shape_cast %get3A_7 : vector<1x10000x1xf32> to vector<10000x1xf32>
    %add3A = arith.addf %get3A_3, %get3A_8 : vector<10000x1xf32>
    %add3A_9 = arith.constant 1.000000e+00 : f32
    %add3A_10 = vector.broadcast %add3A_9 : f32 to vector<10000x1xf32>
    %add3A_11 = arith.addf %add3A, %add3A_10 : vector<10000x1xf32>
    %rsqrt3A = math.rsqrt %add3A_11 : vector<10000x1xf32>
    %get3A_12 = arith.constant 0 : index
    %get3A_13 = arith.constant 0 : index
    %get3A_14 = arith.constant 0 : index
    %get3A_15 = vector.load %arg0[%get3A_12, %get3A_13, %get3A_14] : memref<2x10000x128xf32, #tpu.memory_space<vmem>>, vector<1x10000x128xf32>
    %get3A_16 = vector.shape_cast %get3A_15 : vector<1x10000x128xf32> to vector<10000x128xf32>
    %get3A_17 = arith.constant 1 : index
    %get3A_18 = arith.constant 0 : index
    %get3A_19 = arith.constant 0 : index
    %get3A_20 = vector.load %arg0[%get3A_17, %get3A_18, %get3A_19] : memref<2x10000x128xf32, #tpu.memory_space<vmem>>, vector<1x10000x128xf32>
    %get3A_21 = vector.shape_cast %get3A_20 : vector<1x10000x128xf32> to vector<10000x128xf32>
    %add3A_22 = arith.addf %get3A_16, %get3A_21 : vector<10000x128xf32>
    %get3A_23 = arith.constant 0 : index
    %get3A_24 = arith.constant 0 : index
    %get3A_25 = vector.load %arg1[%get3A_23, %get3A_24] : memref<10000x128xf32, #tpu.memory_space<vmem>>, vector<10000x128xf32>
    %add3A_26 = arith.addf %add3A_22, %get3A_25 : vector<10000x128xf32>
    %mul3A = vector.broadcast %rsqrt3A : vector<10000x1xf32> to vector<10000x128xf32>
    %mul3A_27 = arith.mulf %add3A_26, %mul3A : vector<10000x128xf32>
    %get3A_28 = arith.constant 0 : index
    %get3A_29 = arith.constant 0 : index
    %get3A_30 = vector.load %arg3[%get3A_28, %get3A_29] : memref<1x128xf32, #tpu.memory_space<vmem>>, vector<1x128xf32>
    %add3A_31 = vector.broadcast %get3A_30 : vector<1x128xf32> to vector<10000x128xf32>
    %add3A_32 = arith.addf %mul3A_27, %add3A_31 : vector<10000x128xf32>
    %reduce_sum3A = arith.constant dense<0.000000e+00> : vector<128xf32>
    %reduce_sum3A_33 = vector.multi_reduction <add>, %add3A_32, %reduce_sum3A [0] : vector<10000x128xf32> to vector<128xf32>
    %broadcast_in_dim3A = vector.shape_cast %reduce_sum3A_33 : vector<128xf32> to vector<1x128xf32>
    %div3A = arith.constant 1.000000e+04 : f32
    %div3A_34 = vector.broadcast %div3A : f32 to vector<1x128xf32>
    %div3A_35 = arith.divf %broadcast_in_dim3A, %div3A_34 : vector<1x128xf32>
    %sub3A = vector.broadcast %div3A_35 : vector<1x128xf32> to vector<10000x128xf32>
    %sub3A_36 = arith.subf %add3A_32, %sub3A : vector<10000x128xf32>
    %mul3A_37 = arith.mulf %sub3A_36, %sub3A_36 : vector<10000x128xf32>
    %reduce_sum3A_38 = arith.constant dense<0.000000e+00> : vector<128xf32>
    %reduce_sum3A_39 = vector.multi_reduction <add>, %mul3A_37, %reduce_sum3A_38 [0] : vector<10000x128xf32> to vector<128xf32>
    %broadcast_in_dim3A_40 = vector.shape_cast %reduce_sum3A_39 : vector<128xf32> to vector<1x128xf32>
    %div3A_41 = arith.constant 1.000000e+04 : f32
    %div3A_42 = vector.broadcast %div3A_41 : f32 to vector<1x128xf32>
    %div3A_43 = arith.divf %broadcast_in_dim3A_40, %div3A_42 : vector<1x128xf32>
    %add3A_44 = arith.constant 9.99999974E-6 : f32
    %add3A_45 = vector.broadcast %add3A_44 : f32 to vector<1x128xf32>
    %add3A_46 = arith.addf %div3A_43, %add3A_45 : vector<1x128xf32>
    %rsqrt3A_47 = math.rsqrt %add3A_46 : vector<1x128xf32>
    %mul3A_48 = vector.broadcast %rsqrt3A_47 : vector<1x128xf32> to vector<10000x128xf32>
    %mul3A_49 = arith.mulf %sub3A_36, %mul3A_48 : vector<10000x128xf32>
    %max3A = arith.constant 0.000000e+00 : f32
    %max3A_50 = vector.broadcast %max3A : f32 to vector<10000x128xf32>
    %max3A_51 = arith.maximumf %mul3A_49, %max3A_50 : vector<10000x128xf32>
    %get3A_52 = arith.constant 0 : index
    %get3A_53 = arith.constant 0 : index
    %get3A_54 = vector.load %arg4[%get3A_52, %get3A_53] : memref<128x128xf32, #tpu.memory_space<vmem>>, vector<128x128xf32>
    %dot_general3A = arith.constant dense<0.000000e+00> : vector<10000x128xf32>
    %dot_general3A_55 = tpu.matmul %max3A_51, %get3A_54, %dot_general3A {dimension_numbers = #tpu.dot_dimension_numbers<[1], [0], [0], [1], [0, 0, 1, 1], [], []>, transpose_lhs_hint = false} : vector<10000x128xf32>, vector<128x128xf32>, vector<10000x128xf32> -> vector<10000x128xf32>
    %get3A_56 = arith.constant 0 : index
    %get3A_57 = arith.constant 0 : index
    %get3A_58 = vector.load %arg5[%get3A_56, %get3A_57] : memref<1x128xf32, #tpu.memory_space<vmem>>, vector<1x128xf32>
    %add3A_59 = vector.broadcast %get3A_58 : vector<1x128xf32> to vector<10000x128xf32>
    %add3A_60 = arith.addf %dot_general3A_55, %add3A_59 : vector<10000x128xf32>
    %reduce_sum3A_61 = arith.constant dense<0.000000e+00> : vector<128xf32>
    %reduce_sum3A_62 = vector.multi_reduction <add>, %add3A_60, %reduce_sum3A_61 [0] : vector<10000x128xf32> to vector<128xf32>
    %broadcast_in_dim3A_63 = vector.shape_cast %reduce_sum3A_62 : vector<128xf32> to vector<1x128xf32>
    %div3A_64 = arith.constant 1.000000e+04 : f32
    %div3A_65 = vector.broadcast %div3A_64 : f32 to vector<1x128xf32>
    %div3A_66 = arith.divf %broadcast_in_dim3A_63, %div3A_65 : vector<1x128xf32>
    %sub3A_67 = vector.broadcast %div3A_66 : vector<1x128xf32> to vector<10000x128xf32>
    %sub3A_68 = arith.subf %add3A_60, %sub3A_67 : vector<10000x128xf32>
    %mul3A_69 = arith.mulf %sub3A_68, %sub3A_68 : vector<10000x128xf32>
    %reduce_sum3A_70 = arith.constant dense<0.000000e+00> : vector<128xf32>
    %reduce_sum3A_71 = vector.multi_reduction <add>, %mul3A_69, %reduce_sum3A_70 [0] : vector<10000x128xf32> to vector<128xf32>
    %broadcast_in_dim3A_72 = vector.shape_cast %reduce_sum3A_71 : vector<128xf32> to vector<1x128xf32>
    %div3A_73 = arith.constant 1.000000e+04 : f32
    %div3A_74 = vector.broadcast %div3A_73 : f32 to vector<1x128xf32>
    %div3A_75 = arith.divf %broadcast_in_dim3A_72, %div3A_74 : vector<1x128xf32>
    %add3A_76 = arith.constant 9.99999974E-6 : f32
    %add3A_77 = vector.broadcast %add3A_76 : f32 to vector<1x128xf32>
    %add3A_78 = arith.addf %div3A_75, %add3A_77 : vector<1x128xf32>
    %rsqrt3A_79 = math.rsqrt %add3A_78 : vector<1x128xf32>
    %mul3A_80 = vector.broadcast %rsqrt3A_79 : vector<1x128xf32> to vector<10000x128xf32>
    %mul3A_81 = arith.mulf %sub3A_68, %mul3A_80 : vector<10000x128xf32>
    %max3A_82 = arith.constant 0.000000e+00 : f32
    %max3A_83 = vector.broadcast %max3A_82 : f32 to vector<10000x128xf32>
    %max3A_84 = arith.maximumf %mul3A_81, %max3A_83 : vector<10000x128xf32>
    %get3A_85 = arith.constant 0 : index
    %get3A_86 = arith.constant 0 : index
    %get3A_87 = vector.load %arg6[%get3A_85, %get3A_86] : memref<128x8xf32, #tpu.memory_space<vmem>>, vector<128x8xf32>
    %dot_general3A_88 = arith.constant dense<0.000000e+00> : vector<10000x8xf32>
    %dot_general3A_89 = tpu.matmul %max3A_84, %get3A_87, %dot_general3A_88 {dimension_numbers = #tpu.dot_dimension_numbers<[1], [0], [0], [1], [0, 0, 1, 1], [], []>, transpose_lhs_hint = false} : vector<10000x128xf32>, vector<128x8xf32>, vector<10000x8xf32> -> vector<10000x8xf32>
    %get3A_90 = arith.constant 0 : index
    %get3A_91 = arith.constant 0 : index
    %get3A_92 = vector.load %arg7[%get3A_90, %get3A_91] : memref<1x8xf32, #tpu.memory_space<vmem>>, vector<1x8xf32>
    %add3A_93 = vector.broadcast %get3A_92 : vector<1x8xf32> to vector<10000x8xf32>
    %add3A_94 = arith.addf %dot_general3A_89, %add3A_93 : vector<10000x8xf32>
    %swap3A = arith.constant 0 : index
    %swap3A_95 = arith.constant 0 : index
    %swap3A_96 = vector.load %arg8[%swap3A, %swap3A_95] : memref<10000x8xf32, #tpu.memory_space<vmem>>, vector<10000x8xf32>
    tpu.vector_store %arg8[%swap3A, %swap3A_95], %add3A_94 {strides = array<i32>} : memref<10000x8xf32, #tpu.memory_space<vmem>>, vector<10000x8xf32>,
    return
  }
}

</mosaic_0001>

<sc_bundles>
// kernel: kernel.10.cloned.1.call-start
scs
__scs_entry_jumppad:
0x0: {  	(pc) =	sbr.rel $0x88, $3  }
0x1: {  	(tag) =	ssettag $0x0;
	lr =	simm.s32 $0x1  }
0x2: {  	[smem:$0x3F95] =	sst lr;
	_ =	strace $0xD0000000  }
0x3: {  	_ = 	snop  }
0x4: {  	_ = 	snop  }
0x5: {  	_ = 	snop  }
0x6: {  	_ = 	snop  }
0x7: {  	_ = 	snop  }
__scs_overlays_trampoline_lowered:
0x8: {  	[smem:$0x3FA4] =	sst s0  }
0x9: {  	[smem:$0x3FA5] =	sst s1  }
0xa: {  	[smem:$0x3FA6] =	sst s2  }
0xb: {  	[smem:$0x3FA7] =	sst s3  }
0xc: {  	[smem:$0x3FA8] =	sst s4  }
0xd: {  	[smem:$0x3FA9] =	sst s5  }
0xe: {  	[smem:$0x3FAA] =	sst s6  }
0xf: {  	[smem:$0x3FAB] =	sst s7  }
0x10: {  	[smem:$0x3FAC] =	sst s8  }
0x11: {  	[smem:$0x3FAD] =	sst s9;
	s0 =	simm.s32 @!p0 $0x0  }
0x12: {  	s1 =	sld [smem:$0x3F93];
	s0 =	simm.s32 @p0 $0x1  }
0x13: {  	[smem:$0x3FAE] =	sst s0;
	s0 =	simm.s32 @!p1 $0x0  }
0x14: {  	s2 =	sld [smem:$0x3F92];
	s0 =	simm.s32 @p1 $0x1  }
0x15: {  	[smem:$0x3FAF] =	sst s0;
	s0 =	simm.s32 @!p2 $0x0  }
0x16: {  	s3 =	sld [smem:$0x3FDB];
	s0 =	simm.s32 @p2 $0x1  }
0x17: {  	s4 =	simm.s32 $0x1BF5;
	[smem:$0x3FB1] =	sst s0  }
0x18: {  	s0 =	sld [smem:$0x3F94];
	_ =	swait.ge [sflag:s4], $0x0  }
0x19: {  	s7 =	sld [smem:$0x3F95]  }
0x1a: {  	s8 =	sadd.s32 $0xFFFFE003, lr  }
0x1b: {  	s9 =	sadd.s32 $0xFFFFFEF7, lr;
	s5 =	simm.s32 $0xFFFFFFFF;
	p2 =	slt.u32 s8, $0xFFFFF086  }
0x1c: {  	p1 =	slt.u32 s9, $0xF7A;
	s5 =	simm.s32 @!p2 $0x0  }
0x1d: {  	s5 =	simm.s32 @p1 $0x1;
	p0 =	seq.s32 s7, s2  }
0x1e: {  	s7 =	smul.u32 @!p0 $0xF7A, s2;
	p2 =	seq.s32 @!p0 s5, $0x0  }
0x1f: {  	s9 =	smul.u32 $0xF7A, s1;
	s8 =	simm.s32 @!p0 $0x1BF5;
	p2 =	por !p2, p0  }
0x20: {  	[sflag:s8] =	ssyncset.s32 @!p0 $0xFFFFF086;
	s6 =	sadd.s32 @!p0 s3, s7;
	s7 =	simm.s32 @!p0 $0x108  }
0x21: {  	s3 =	sadd.s32 s3, s9;
	s6 =	sadd.s32 @!p0 $0x88, s6;
	s7 =	simm.s32 @p2 $0x1082  }
0x22: {  	[simem:s7], [sflag:s8] =	dma.local @!p0 [hbm:s6], $0xF7A  }
0x23: {  	s9 =	sor.u32 $0xD0000000, s2;
	s6 =	simm.s32 $0x108;
	_ =	swait.ge @!p0 [sflag:s8], $0x0  }
0x24: {  	s3 =	sadd.s32 $0x88, s3;
	s6 =	simm.s32 @!p1 $0x1082;
	[sflag:s4] =	ssyncset.s32 $0xFFFFF086  }
0x25: {  	[simem:s6], [sflag:s4] =	dma.local [hbm:s3], $0xF7A  }
0x26: {  	[smem:$0x3F95] =	sst s1;
	(tag) =	ssettag s2;
	_ =	strace s9  }
0x27: {  	s1 =	sld [smem:$0x3FA5]  }
0x28: {  	s2 =	sld [smem:$0x3FA6]  }
0x29: {  	s4 =	sld [smem:$0x3FA8]  }
0x2a: {  	p0 =	seq.s32 s5, $0x0;
	s5 =	sld [smem:$0x3FA9]  }
0x2b: {  	s6 =	sld [smem:$0x3FAA]  }
0x2c: {  	s7 =	sld [smem:$0x3FAB]  }
0x2d: {  	s3 =	simm.s32 $0x108;
	s8 =	sld [smem:$0x3FAC]  }
0x2e: {  	s3 =	simm.s32 @!p0 $0x1082;
	s9 =	sld [smem:$0x3FAD]  }
0x2f: {  	lr =	sadd.s32 s0, s3;
	s0 =	sld [smem:$0x3FA4]  }
0x30: {  	s3 =	sld [smem:$0x3FA7]  }
0x31: {  	[smem:$0x3FB0] =	sst s10  }
0x32: {  	s10 =	sld [smem:$0x3FAE];
	_ =	sdelay $0x3  }
0x33: {  	p0 =	seq.s32 s10, $0x1;
	s10 =	sld [smem:$0x3FB0];
	_ =	sdelay $0x3  }
0x34: {  	[smem:$0x3FB0] =	sst s10  }
0x35: {  	s10 =	sld [smem:$0x3FAF];
	_ =	sdelay $0x3  }
0x36: {  	p1 =	seq.s32 s10, $0x1;
	s10 =	sld [smem:$0x3FB0];
	_ =	sdelay $0x3  }
0x37: {  	[smem:$0x3FB0] =	sst s10  }
0x38: {  	s10 =	sld [smem:$0x3FB1]  }
0x39: {  	_ = 	snop;
	(pc) =	sbr.ind lr, $3  }
0x3a: {  	_ = 	snop  }
0x3b: {  	_ = 	snop  }
0x3c: {  	p2 =	seq.s32 s10, $0x1;
	s10 =	sld [smem:$0x3FB0]  }
0x3d: {  	_ =	shalt  }
0x3e: {  	_ =	shalt  }
0x3f: {  	_ =	shalt  }
0x40: {  	_ =	shalt  }
0x41: {  	_ =	shalt  }
0x42: {  	_ =	shalt  }
0x43: {  	_ =	shalt  }
0x44: {  	_ =	shalt  }
0x45: {  	_ =	shalt  }
0x46: {  	_ =	shalt  }
0x47: {  	_ =	shalt  }
0x48: {  	_ =	shalt  }
0x49: {  	_ =	shalt  }
0x4a: {  	_ =	shalt  }
0x4b: {  	_ =	shalt  }
0x4c: {  	_ =	shalt  }
0x4d: {  	_ =	shalt  }
0x4e: {  	_ =	shalt  }
0x4f: {  	_ =	shalt  }
0x50: {  	_ =	shalt  }
0x51: {  	_ =	shalt  }
0x52: {  	_ =	shalt  }
0x53: {  	_ =	shalt  }
0x54: {  	_ =	shalt  }
0x55: {  	_ =	shalt  }
0x56: {  	_ =	shalt  }
0x57: {  	_ =	shalt  }
0x58: {  	_ =	shalt  }
0x59: {  	_ =	shalt  }
0x5a: {  	_ =	shalt  }
0x5b: {  	_ =	shalt  }
0x5c: {  	_ =	shalt  }
0x5d: {  	_ =	shalt  }
0x5e: {  	_ =	shalt  }
0x5f: {  	_ =	shalt  }
0x60: {  	_ =	shalt  }
0x61: {  	_ =	shalt  }
0x62: {  	_ =	shalt  }
0x63: {  	_ =	shalt  }
0x64: {  	_ =	shalt  }
0x65: {  	_ =	shalt  }
0x66: {  	_ =	shalt  }
0x67: {  	_ =	shalt  }
0x68: {  	_ =	shalt  }
0x69: {  	_ =	shalt  }
0x6a: {  	_ =	shalt  }
0x6b: {  	_ =	shalt  }
0x6c: {  	_ =	shalt  }
0x6d: {  	_ =	shalt  }
0x6e: {  	_ =	shalt  }
0x6f: {  	_ =	shalt  }
0x70: {  	_ =	shalt  }
0x71: {  	_ =	shalt  }
0x72: {  	_ =	shalt  }
0x73: {  	_ =	shalt  }
0x74: {  	_ =	shalt  }
0x75: {  	_ =	shalt  }
0x76: {  	_ =	shalt  }
0x77: {  	_ =	shalt  }
0x78: {  	_ =	shalt  }
0x79: {  	_ =	shalt  }
0x7a: {  	_ =	shalt  }
0x7b: {  	_ =	shalt  }
0x7c: {  	_ =	shalt  }
0x7d: {  	_ =	shalt  }
0x7e: {  	_ =	shalt  }
0x7f: {  	_ =	shalt  }
0x80: {  	_ =	shalt  }
0x81: {  	_ =	shalt  }
0x82: {  	_ =	shalt  }
0x83: {  	_ =	shalt  }
0x84: {  	_ =	shalt  }
0x85: {  	_ =	shalt  }
0x86: {  	_ =	shalt  }
0x87: {  	_ =	shalt  }
.Lfunc_end0:
.L_simem_size_0:
called_computation_lowered:
.L_overlay_start_0:
0x88: {  	s2 =	sld [smem:$0x3FD9]  }
0x89: {  	s3 =	sld [smem:$0x3FFE];
	_ =	sdelay $0x1  }
0x8a: {  	s1 =	srdreg.scid  }
0x8b: {  	s0 =	sand.u32 $0x1, s1  }
0x8c: {  	s17 =	sshll.u32 s0, $0xA;
	s2 =	sadd.s32 s3, s2  }
0x8d: {  	s2 =	sadd.s32 s2, s17  }
0x8e: {  	[smem:$0x3FBC] =	sst s2  }
0x8f: {  	_ = 	snop  }
0x90: {  	s2 =	sld [smem:$0x3FD0];
	(tm) =	ssettm $0x1  }
0x91: {  	s18 =	sld [smem:$0x3FFB];
	_ =	sdelay $0x3  }
0x92: {  	_ =	strace s18  }
0x93: {  	s3 =	sld [smem:$0x3FFC];
	_ =	sdelay $0x3  }
0x94: {  	_ =	strace s3  }
0x95: {  	s3 =	sld [smem:$0x3FFD];
	_ =	sdelay $0x3  }
0x96: {  	_ =	strace s3  }
0x97: {  	_ =	strace $0x8FFFFFFF  }
0x98: {  	s19 =	sld [smem:$0x3FDB];
	_ =	sdelay $0x1  }
0x99: {  	s4 =	simm.s32 $_scs_section_size  }
0x9a: {  	s5 =	simm.s32 $_size__tile_overlayer_lowered;
	s6 =	simm.s32 $_tile_overlayer_lowered  }
0x9b: {  	s22 =	simm.s32 $0x1BFF;
	s21 =	sshll.u32 s6, $0x1;
	s3 =	sadd.s32 s4, s19  }
0x9c: {  	s7 =	simm.s32 $0x0;
	s20 =	sshll.u32 s5, $0x1;
	s5 =	sadd.s32 s21, s3  }
0x9d: {  	[timem:s7], [sflag:s22] =	dma.local [hbm:s5], s20  }
0x9e: {  	_ =	swait.ge [sflag:s22], s20  }
0x9f: {  	s4 =	ssub.s32 $0x0, s20;
	[sflag:s22] =	ssyncset.done $0x0  }
0xa0: {  	[sflag:s22] =	ssyncadd.s32 s4;
	_ =	sdelay $0x1  }
0xa1: {  	s23 =	simm.s32 $0x1B8B  }
0xa2: {  	_ =	swait.ge [sflag:s23], $0x1  }
0xa3: {  	[sflag:s23] =	ssyncset.done $0x0  }
0xa4: {  	s25 =	simm.s32 $0x1B8E;
	s24 =	sld [smem:$0x3FFE];
	[sflag:s23] =	ssyncadd.s32 $0xFFFFFFFF  }
0xa5: {  	s26 =	simm.s32 $execute0_lowered;
	[smem:$0x3FD2] =	sst s25  }
0xa6: {  	s5 =	sshll.u32 s26, $0x1;
	_ =	strace $0x80000046;
	[dreg:$0x1] =	wrdreg $0xFFFFFFFF  }
0xa7: {  	s28 =	simm.s32 $_size_execute0_lowered;
	s3 =	sadd.s32 s3, s5;
	[dreg:$0x0] =	wrdreg $0x0  }
0xa8: {  	s5 =	sshll.u32 s28, $0x1;
	[dreg:$0x2] =	wrdreg s3  }
0xa9: {  	[dreg:$0x3] =	wrdreg s5  }
0xaa: {  	[dreg:$0x4] =	wrdreg $0xC0  }
0xab: {  	_ =	task [dreg:s7], $0x5FFFF  }
0xac: {  	[dreg:$0x1] =	wrdreg $0xFFFFFFFF  }
0xad: {  	[dreg:$0x0] =	wrdreg $0x60  }
0xae: {  	[dreg:$0x2] =	wrdreg s24  }
0xaf: {  	[dreg:$0x3] =	wrdreg s2  }
0xb0: {  	[dreg:$0x4] =	wrdreg $0x68000  }
0xb1: {  	[dreg:$0x5] =	wrdreg $0x9  }
0xb2: {  	_ =	task.clear_ibuf [dreg:s7], $0x6FFFF;
	_ =	strace $0x90000046  }
0xb3: {  	s29 =	simm.s32 $0x9;
	_ =	strace $0x80000048  }
0xb4: {  	_ =	swait.ge [sflag:s29], $0x1  }
0xb5: {  	[sflag:s29] =	ssyncadd.s32 $0xFFFFFFFF  }
0xb6: {  	_ =	strace $0x90000048  }
0xb7: {  	_ =	sfence  }
0xb8: {  	s30 =	sld [smem:$0x0];
	_ =	sdelay $0x2  }
0xb9: {  	s31 =	sshll.u32 s1, $0xD;
	s1 =	sshrl.u32 s1, $0x2  }
0xba: {  	s3 =	sand.u32 $0x4000, s31;
	s1 =	sadd.s32 s1, s30  }
0xbb: {  	s0 =	sor.u32 s3, s0;
	s1 =	sshll.u32 s1, $0x11  }
0xbc: {  	s0 =	sor.u32 s1, s0  }
0xbd: {  	s0 =	sadd.s32 $0x8F2B, s0  }
0xbe: {  	[sflag:s0] =	ssyncadd.remote.s32 $0x1  }
0xbf: {  	_ =	sfence.sel $0xFFFF  }
0xc0: {  	[dreg:$0x0] =	wrdreg $0xFFFFFFFF;
	(pc) =	sbr.abs _section_cstart, $3  }
0xc1: {  	[dreg:$0x1] =	wrdreg $0xFFFFFFFF  }
0xc2: {  	_ =	task.clear_ibuf [dreg:s7], $0x2FFFF;
	_ =	strace $0x9FFFFFFF  }
0xc3: {  	(tm) =	ssettm $0x7FFFFFFF  }
tec
execute0_lowered:
.L_overlay_start_1:
0x0: {  	(tag) =	ssettag $0x1  }
0x1: {  	s6 =	rddreg [dreg:$0x0]  }
0x2: {  	s2 =	rddreg [dreg:$0x1]  }
0x3: {  	s0 =	srdreg.scid;
	s3 =	rddreg [dreg:$0x2]  }
0x4: {  	s4 =	simm.s32 $0x0;
	s13 =	simm.s32 $0x80;
	s5 =	sand.u32 $0x1, s0  }
0x5: {  	s14 =	simm.s32 $0x0;
	s0 =	stileid.u32;
	s8 =	smul.u32 $0x138800, s5  }
0x6: {  	[smem:$0x7FF] =	sst s4;
	s1 =	sshll.u32 s5, $0x4;
	s9 =	smul.u32 $0x1F400, s0  }
0x7: {  	s31 =	ssub.s32 $0x2, s5;
	s10 =	smul.u32 $0x7D000, s0;
	s5 =	sadd.s32 $0xDE00, s6  }
0x8: {  	p0 =	sgt.u32 s0, $0x9;
	s1 =	sor.u32 s0, s1;
	s11 =	sshrl.u32 s31, $0x1  }
0x9: {  	s7 =	smul.u32 $0x500, s1;
	s1 =	rddreg [dreg:$0x3];
	_ =	strace $0x80000047  }
0xa: {  	s8 =	sadd.s32 s9, s8;
	s9 =	ssub.s32 s31, s11;
	s10 =	sshrl.u32 s10, $0x2  }
0xb: {  	s11 =	sshll.u32 @!p0 s0, $0x6;
	s8 =	sshrl.u32 s8, $0x3;
	s12 =	sadd.s32 s10, s3  }
0xc: {  	s10 =	simm.s32 $0x2800;
	s11 =	sor.u32 @!p0 $0x1C01, s11;
	s7 =	sadd.s32 s7, s6  }
0xd: {  	s8 =	sadd.s32 s8, s6;
	s12 =	sshrl.u32 @!p0 s12, $0x3;
	s6 =	sadd.s32 $0x3E00, s7  }
0xe: {  	s7 =	sadd.s32 $0x11E00, s8;
	s8 =	smax.u32 s9, $0x1;
	s9 =	simm.s32 $0x1  }
.LBB2_1:
0xf: {  	[tilespmem:s4], [sflag:$0x1] =	stream.linear.gather [hbm4b:s6+s4], $0x2800, $0x38;
	[tilespmem:$0x1A088] =	vst v63  }
0x10: {  	_ =	swait.ge [sflag:s9], $0x2800  }
0x11: {  	[sflag:s9] =	ssyncset.done $0x0  }
0x12: {  	[sflag:s9] =	ssyncadd.s32 $0xFFFFD800  }
0x13: {  	[tilespmem:s10], [sflag:$0x1] =	stream.linear.gather [hbm4b:s2+s4], $0x4000, $0x38;
	[tilespmem:$0x1A088] =	vst v63  }
0x14: {  	_ =	swait.ge [sflag:s9], $0x4000  }
0x15: {  	[sflag:s9] =	ssyncset.done $0x0  }
0x16: {  	s15 =	simm.s32 @!p0 $0x1;
	[sflag:s9] =	ssyncadd.s32 $0xFFFFC000  }
0x17: {  	[spmem:s12], [sflag:s11] =	dma.local @!p0 [hbm:s5], $0x3E80  }
0x18: {  	_ =	swait.ge @!p0 [sflag:s15], $0x3E80  }
0x19: {  	[sflag:s15] =	ssyncset.done @!p0 $0x0  }
0x1a: {  	[sflag:s15] =	ssyncadd.s32 @!p0 $0xFFFFC180  }
0x1b: {  	s31 =	simm.s32 $0x0;
	[bflag:$0x0] =	sbarrier.arrive $0xFFFF  }
0x1c: {  	[spmem:s3] =	stream.indirect.scatter.add.f32 [tilespmem:s10], [sflag:$0x1], $0x80, s31, s13, $0xb8;
	[tilespmem:$0x1A088] =	vst v63  }
0x1d: {  	_ =	swait.ge [sflag:s9], $0x4000  }
0x1e: {  	s15 =	simm.s32 $0x200;
	[sflag:s9] =	ssyncset.done $0x0  }
.LBB2_2:
0x1f: {  	s16 =	sshra.s32 s15, $0x2;
	[sflag:s9] =	ssyncadd.s32 $0xFFFFC000;
	p1 =	sne.s32 s15, $0x9E00  }
0x20: {  	[spmem:s3] =	stream.indirect.scatter.add.f32 [tilespmem:s10], [sflag:$0x1], $0x80, s16, s13, $0xb8;
	[tilespmem:$0x1A088] =	vst v63  }
.Ltmp0:
0x21: {  	_ = 	snop;
	(pc) =	sbr.rel @p1 .LBB2_2-.Ltmp0, $4  }
0x22: {  	_ = 	snop  }
0x23: {  	s15 =	sadd.s32 $0x200, s15  }
0x24: {  	_ =	swait.ge [sflag:s9], $0x4000  }
0x25: {  	[sflag:s9] =	ssyncset.done $0x0  }
0x26: {  	s14 =	sadd.s32 $0x1, s14  }
0x27: {  	[sflag:s9] =	ssyncadd.s32 $0xFFFFC000;
	p1 =	sne.s32 s14, s8  }
.Ltmp1:
0x28: {  	s15 =	simm.s32 @!p0 $0x1;
	[bflag:$0x0] =	sbarrier.arrive $0xFFFF;
	(pc) =	sbr.rel @p1 .LBB2_1-.Ltmp1, $4  }
0x29: {  	[hbm:s7], [sflag:s11] =	dma.local @!p0 [spmem:s12], $0x3E80  }
0x2a: {  	_ =	swait.ge @!p0 [sflag:s15], $0x3E80  }
0x2b: {  	[sflag:s15] =	ssyncset.done @!p0 $0x0  }
0x2c: {  	[sflag:s15] =	ssyncadd.s32 @!p0 $0xFFFFC180  }
0x2d: {  	_ =	sfence.sel $0x180000  }
0x2e: {  	[bflag:$0x0] =	sbarrier.arrive $0xFFFF  }
0x2f: {  	p0 =	sne.s32 s0, $0x0;
	_ =	strace $0x90000047  }
0x30: {  	s0 =	sadd.s32 @!p0 $0x100000, s1;
	[bflag:$0x2] =	sbarrier.arrive $0xFFFF  }
0x31: {  	[sflag:s0] =	ssyncadd.tile.s32 @!p0 $0x1;
	_ =	shalt  }
.Lfunc_end2:
_tile_overlayer_lowered:
.L_overlay_start_2:
0x32: {  	(tag) =	ssettag $0x2  }
0x33: {  	s0 =	rddreg [dreg:$0x0];
	s2 =	stileid.u32  }
0x34: {  	s1 =	rddreg [dreg:$0x1];
	p0 =	sne.s32 s2, $0x0  }
0x35: {  	s3 =	rddreg [dreg:$0x2];
	[bflag:$0x3] =	sbarrier.arrive $0xFFFF;
	s2 =	simm.s32 @!p0 $0x1C01  }
0x36: {  	[timem:s3], [sflag:s2] =	dma.local @!p0 [hbm:s0], s1  }
0x37: {  	s0 =	simm.s32 @!p0 $0x1  }
0x38: {  	_ =	swait.ge @!p0 [sflag:s0], s1  }
0x39: {  	s1 =	ssub.s32 @!p0 $0x0, s1;
	[sflag:s0] =	ssyncset.done @!p0 $0x0  }
0x3a: {  	[sflag:s0] =	ssyncadd.s32 @!p0 s1  }
0x3b: {  	[bflag:$0x3] =	sbarrier.arrive $0xFFFF  }
0x3c: {  	_ =	shalt  }

// kernel: kernel.13.cloned.1.call-start
scs
__scs_entry_jumppad:
0x0: {  	(pc) =	sbr.rel $0x88, $3  }
0x1: {  	(tag) =	ssettag $0x0;
	lr =	simm.s32 $0x1  }
0x2: {  	[smem:$0x3F95] =	sst lr;
	_ =	strace $0xD0000000  }
0x3: {  	_ = 	snop  }
0x4: {  	_ = 	snop  }
0x5: {  	_ = 	snop  }
0x6: {  	_ = 	snop  }
0x7: {  	_ = 	snop  }
__scs_overlays_trampoline_lowered:
0x8: {  	[smem:$0x3FA4] =	sst s0  }
0x9: {  	[smem:$0x3FA5] =	sst s1  }
0xa: {  	[smem:$0x3FA6] =	sst s2  }
0xb: {  	[smem:$0x3FA7] =	sst s3  }
0xc: {  	[smem:$0x3FA8] =	sst s4  }
0xd: {  	[smem:$0x3FA9] =	sst s5  }
0xe: {  	[smem:$0x3FAA] =	sst s6  }
0xf: {  	[smem:$0x3FAB] =	sst s7  }
0x10: {  	[smem:$0x3FAC] =	sst s8  }
0x11: {  	[smem:$0x3FAD] =	sst s9;
	s0 =	simm.s32 @!p0 $0x0  }
0x12: {  	s1 =	sld [smem:$0x3F93];
	s0 =	simm.s32 @p0 $0x1  }
0x13: {  	[smem:$0x3FAE] =	sst s0;
	s0 =	simm.s32 @!p1 $0x0  }
0x14: {  	s2 =	sld [smem:$0x3F92];
	s0 =	simm.s32 @p1 $0x1  }
0x15: {  	[smem:$0x3FAF] =	sst s0;
	s0 =	simm.s32 @!p2 $0x0  }
0x16: {  	s3 =	sld [smem:$0x3FDB];
	s0 =	simm.s32 @p2 $0x1  }
0x17: {  	s4 =	simm.s32 $0x1BF5;
	[smem:$0x3FB1] =	sst s0  }
0x18: {  	s0 =	sld [smem:$0x3F94];
	_ =	swait.ge [sflag:s4], $0x0  }
0x19: {  	s7 =	sld [smem:$0x3F95]  }
0x1a: {  	s8 =	sadd.s32 $0xFFFFE003, lr  }
0x1b: {  	s9 =	sadd.s32 $0xFFFFFEF7, lr;
	s5 =	simm.s32 $0xFFFFFFFF;
	p2 =	slt.u32 s8, $0xFFFFF086  }
0x1c: {  	p1 =	slt.u32 s9, $0xF7A;
	s5 =	simm.s32 @!p2 $0x0  }
0x1d: {  	s5 =	simm.s32 @p1 $0x1;
	p0 =	seq.s32 s7, s2  }
0x1e: {  	s7 =	smul.u32 @!p0 $0xF7A, s2;
	p2 =	seq.s32 @!p0 s5, $0x0  }
0x1f: {  	s9 =	smul.u32 $0xF7A, s1;
	s8 =	simm.s32 @!p0 $0x1BF5;
	p2 =	por !p2, p0  }
0x20: {  	[sflag:s8] =	ssyncset.s32 @!p0 $0xFFFFF086;
	s6 =	sadd.s32 @!p0 s3, s7;
	s7 =	simm.s32 @!p0 $0x108  }
0x21: {  	s3 =	sadd.s32 s3, s9;
	s6 =	sadd.s32 @!p0 $0x88, s6;
	s7 =	simm.s32 @p2 $0x1082  }
0x22: {  	[simem:s7], [sflag:s8] =	dma.local @!p0 [hbm:s6], $0xF7A  }
0x23: {  	s9 =	sor.u32 $0xD0000000, s2;
	s6 =	simm.s32 $0x108;
	_ =	swait.ge @!p0 [sflag:s8], $0x0  }
0x24: {  	s3 =	sadd.s32 $0x88, s3;
	s6 =	simm.s32 @!p1 $0x1082;
	[sflag:s4] =	ssyncset.s32 $0xFFFFF086  }
0x25: {  	[simem:s6], [sflag:s4] =	dma.local [hbm:s3], $0xF7A  }
0x26: {  	[smem:$0x3F95] =	sst s1;
	(tag) =	ssettag s2;
	_ =	strace s9  }
0x27: {  	s1 =	sld [smem:$0x3FA5]  }
0x28: {  	s2 =	sld [smem:$0x3FA6]  }
0x29: {  	s4 =	sld [smem:$0x3FA8]  }
0x2a: {  	p0 =	seq.s32 s5, $0x0;
	s5 =	sld [smem:$0x3FA9]  }
0x2b: {  	s6 =	sld [smem:$0x3FAA]  }
0x2c: {  	s7 =	sld [smem:$0x3FAB]  }
0x2d: {  	s3 =	simm.s32 $0x108;
	s8 =	sld [smem:$0x3FAC]  }
0x2e: {  	s3 =	simm.s32 @!p0 $0x1082;
	s9 =	sld [smem:$0x3FAD]  }
0x2f: {  	lr =	sadd.s32 s0, s3;
	s0 =	sld [smem:$0x3FA4]  }
0x30: {  	s3 =	sld [smem:$0x3FA7]  }
0x31: {  	[smem:$0x3FB0] =	sst s10  }
0x32: {  	s10 =	sld [smem:$0x3FAE];
	_ =	sdelay $0x3  }
0x33: {  	p0 =	seq.s32 s10, $0x1;
	s10 =	sld [smem:$0x3FB0];
	_ =	sdelay $0x3  }
0x34: {  	[smem:$0x3FB0] =	sst s10  }
0x35: {  	s10 =	sld [smem:$0x3FAF];
	_ =	sdelay $0x3  }
0x36: {  	p1 =	seq.s32 s10, $0x1;
	s10 =	sld [smem:$0x3FB0];
	_ =	sdelay $0x3  }
0x37: {  	[smem:$0x3FB0] =	sst s10  }
0x38: {  	s10 =	sld [smem:$0x3FB1]  }
0x39: {  	_ = 	snop;
	(pc) =	sbr.ind lr, $3  }
0x3a: {  	_ = 	snop  }
0x3b: {  	_ = 	snop  }
0x3c: {  	p2 =	seq.s32 s10, $0x1;
	s10 =	sld [smem:$0x3FB0]  }
0x3d: {  	_ =	shalt  }
0x3e: {  	_ =	shalt  }
0x3f: {  	_ =	shalt  }
0x40: {  	_ =	shalt  }
0x41: {  	_ =	shalt  }
0x42: {  	_ =	shalt  }
0x43: {  	_ =	shalt  }
0x44: {  	_ =	shalt  }
0x45: {  	_ =	shalt  }
0x46: {  	_ =	shalt  }
0x47: {  	_ =	shalt  }
0x48: {  	_ =	shalt  }
0x49: {  	_ =	shalt  }
0x4a: {  	_ =	shalt  }
0x4b: {  	_ =	shalt  }
0x4c: {  	_ =	shalt  }
0x4d: {  	_ =	shalt  }
0x4e: {  	_ =	shalt  }
0x4f: {  	_ =	shalt  }
0x50: {  	_ =	shalt  }
0x51: {  	_ =	shalt  }
0x52: {  	_ =	shalt  }
0x53: {  	_ =	shalt  }
0x54: {  	_ =	shalt  }
0x55: {  	_ =	shalt  }
0x56: {  	_ =	shalt  }
0x57: {  	_ =	shalt  }
0x58: {  	_ =	shalt  }
0x59: {  	_ =	shalt  }
0x5a: {  	_ =	shalt  }
0x5b: {  	_ =	shalt  }
0x5c: {  	_ =	shalt  }
0x5d: {  	_ =	shalt  }
0x5e: {  	_ =	shalt  }
0x5f: {  	_ =	shalt  }
0x60: {  	_ =	shalt  }
0x61: {  	_ =	shalt  }
0x62: {  	_ =	shalt  }
0x63: {  	_ =	shalt  }
0x64: {  	_ =	shalt  }
0x65: {  	_ =	shalt  }
0x66: {  	_ =	shalt  }
0x67: {  	_ =	shalt  }
0x68: {  	_ =	shalt  }
0x69: {  	_ =	shalt  }
0x6a: {  	_ =	shalt  }
0x6b: {  	_ =	shalt  }
0x6c: {  	_ =	shalt  }
0x6d: {  	_ =	shalt  }
0x6e: {  	_ =	shalt  }
0x6f: {  	_ =	shalt  }
0x70: {  	_ =	shalt  }
0x71: {  	_ =	shalt  }
0x72: {  	_ =	shalt  }
0x73: {  	_ =	shalt  }
0x74: {  	_ =	shalt  }
0x75: {  	_ =	shalt  }
0x76: {  	_ =	shalt  }
0x77: {  	_ =	shalt  }
0x78: {  	_ =	shalt  }
0x79: {  	_ =	shalt  }
0x7a: {  	_ =	shalt  }
0x7b: {  	_ =	shalt  }
0x7c: {  	_ =	shalt  }
0x7d: {  	_ =	shalt  }
0x7e: {  	_ =	shalt  }
0x7f: {  	_ =	shalt  }
0x80: {  	_ =	shalt  }
0x81: {  	_ =	shalt  }
0x82: {  	_ =	shalt  }
0x83: {  	_ =	shalt  }
0x84: {  	_ =	shalt  }
0x85: {  	_ =	shalt  }
0x86: {  	_ =	shalt  }
0x87: {  	_ =	shalt  }
.Lfunc_end0:
.L_simem_size_0:
called_computation.1_lowered:
.L_overlay_start_0:
0x88: {  	s2 =	sld [smem:$0x3FD9]  }
0x89: {  	s3 =	sld [smem:$0x3FFE];
	_ =	sdelay $0x1  }
0x8a: {  	s1 =	srdreg.scid  }
0x8b: {  	s0 =	sand.u32 $0x1, s1  }
0x8c: {  	s16 =	sshll.u32 s0, $0xA;
	s2 =	sadd.s32 s3, s2  }
0x8d: {  	s2 =	sadd.s32 s2, s16  }
0x8e: {  	[smem:$0x3FBC] =	sst s2  }
0x8f: {  	_ = 	snop  }
0x90: {  	(tm) =	ssettm $0x1  }
0x91: {  	s17 =	sld [smem:$0x3FFB];
	_ =	sdelay $0x3  }
0x92: {  	_ =	strace s17  }
0x93: {  	s2 =	sld [smem:$0x3FFC];
	_ =	sdelay $0x3  }
0x94: {  	_ =	strace s2  }
0x95: {  	s2 =	sld [smem:$0x3FFD];
	_ =	sdelay $0x3  }
0x96: {  	_ =	strace s2  }
0x97: {  	_ =	strace $0x8FFFFFFF  }
0x98: {  	s18 =	sld [smem:$0x3FDB];
	_ =	sdelay $0x1  }
0x99: {  	s19 =	simm.s32 $_scs_section_size  }
0x9a: {  	s4 =	simm.s32 $_size__tile_overlayer_lowered;
	s5 =	simm.s32 $_tile_overlayer_lowered  }
0x9b: {  	s22 =	simm.s32 $0x1BFF;
	s21 =	sshll.u32 s5, $0x1;
	s2 =	sadd.s32 s19, s18  }
0x9c: {  	s6 =	simm.s32 $0x0;
	s20 =	sshll.u32 s4, $0x1;
	s4 =	sadd.s32 s21, s2  }
0x9d: {  	[timem:s6], [sflag:s22] =	dma.local [hbm:s4], s20  }
0x9e: {  	_ =	swait.ge [sflag:s22], s20  }
0x9f: {  	s3 =	ssub.s32 $0x0, s20;
	[sflag:s22] =	ssyncset.done $0x0  }
0xa0: {  	[sflag:s22] =	ssyncadd.s32 s3;
	_ =	sdelay $0x1  }
0xa1: {  	s23 =	simm.s32 $0x1B8B  }
0xa2: {  	_ =	swait.ge [sflag:s23], $0x1  }
0xa3: {  	[sflag:s23] =	ssyncset.done $0x0  }
0xa4: {  	s25 =	simm.s32 $0x1B8E;
	s24 =	sld [smem:$0x3FFE];
	[sflag:s23] =	ssyncadd.s32 $0xFFFFFFFF  }
0xa5: {  	s26 =	simm.s32 $execute0_lowered;
	[smem:$0x3FD2] =	sst s25  }
0xa6: {  	s4 =	sshll.u32 s26, $0x1;
	_ =	strace $0x80000049;
	[dreg:$0x1] =	wrdreg $0xFFFFFFFF  }
0xa7: {  	s28 =	simm.s32 $_size_execute0_lowered;
	s2 =	sadd.s32 s2, s4;
	[dreg:$0x0] =	wrdreg $0x0  }
0xa8: {  	s4 =	sshll.u32 s28, $0x1;
	[dreg:$0x2] =	wrdreg s2  }
0xa9: {  	[dreg:$0x3] =	wrdreg s4  }
0xaa: {  	[dreg:$0x4] =	wrdreg $0xC0  }
0xab: {  	_ =	task [dreg:s6], $0x5FFFF  }
0xac: {  	[dreg:$0x1] =	wrdreg $0xFFFFFFFF  }
0xad: {  	[dreg:$0x0] =	wrdreg $0x60  }
0xae: {  	[dreg:$0x2] =	wrdreg s24  }
0xaf: {  	[dreg:$0x3] =	wrdreg $0x90000  }
0xb0: {  	[dreg:$0x4] =	wrdreg $0x9  }
0xb1: {  	_ =	task.clear_ibuf [dreg:s6], $0x5FFFF;
	_ =	strace $0x90000049  }
0xb2: {  	s29 =	simm.s32 $0x9;
	_ =	strace $0x8000004B  }
0xb3: {  	_ =	swait.ge [sflag:s29], $0x1  }
0xb4: {  	[sflag:s29] =	ssyncadd.s32 $0xFFFFFFFF  }
0xb5: {  	_ =	strace $0x9000004B  }
0xb6: {  	_ =	sfence  }
0xb7: {  	s30 =	sld [smem:$0x0];
	_ =	sdelay $0x2  }
0xb8: {  	s31 =	sshll.u32 s1, $0xD;
	s1 =	sshrl.u32 s1, $0x2  }
0xb9: {  	s3 =	sand.u32 $0x4000, s31;
	s1 =	sadd.s32 s1, s30  }
0xba: {  	s0 =	sor.u32 s3, s0;
	s1 =	sshll.u32 s1, $0x11  }
0xbb: {  	s0 =	sor.u32 s1, s0  }
0xbc: {  	s0 =	sadd.s32 $0x8F2B, s0  }
0xbd: {  	[sflag:s0] =	ssyncadd.remote.s32 $0x1  }
0xbe: {  	_ =	sfence.sel $0xFFFF  }
0xbf: {  	[dreg:$0x0] =	wrdreg $0xFFFFFFFF;
	(pc) =	sbr.abs _section_cstart, $3  }
0xc0: {  	[dreg:$0x1] =	wrdreg $0xFFFFFFFF  }
0xc1: {  	_ =	task.clear_ibuf [dreg:s6], $0x2FFFF;
	_ =	strace $0x9FFFFFFF  }
0xc2: {  	(tm) =	ssettm $0x7FFFFFFF  }
0xc3: {  	_ =	shalt  }
tec
execute0_lowered:
.L_overlay_start_1:
0x0: {  	(tag) =	ssettag $0x1  }
0x1: {  	s6 =	rddreg [dreg:$0x0]  }
0x2: {  	s0 =	srdreg.scid;
	s2 =	rddreg [dreg:$0x1]  }
0x3: {  	s3 =	simm.s32 $0x0;
	s14 =	simm.s32 $0x80;
	s15 =	simm.s32 $0x5000  }
0x4: {  	s16 =	simm.s32 $0x0;
	s5 =	sand.u32 $0x1, s0;
	s0 =	stileid.u32  }
0x5: {  	[smem:$0x7FF] =	sst s3;
	s4 =	sadd.s32 $0x6A000, s6;
	s8 =	smul.u32 $0x138800, s5  }
0x6: {  	s1 =	sshll.u32 s5, $0x4;
	s9 =	smul.u32 $0x1F400, s0;
	s30 =	ssub.s32 $0x2, s5  }
0x7: {  	s11 =	smul.u32 $0x7D000, s0;
	s5 =	sadd.s32 $0xDE00, s6;
	p0 =	sgt.u32 s0, $0x9  }
0x8: {  	s1 =	sor.u32 s0, s1;
	s10 =	sshrl.u32 s30, $0x1;
	s12 =	sshll.u32 @!p0 s0, $0x6  }
0x9: {  	s7 =	smul.u32 $0x500, s1;
	s1 =	rddreg [dreg:$0x2];
	_ =	strace $0x8000004A  }
0xa: {  	s8 =	sadd.s32 s9, s8;
	s9 =	ssub.s32 s30, s10;
	s31 =	sshrl.u32 s11, $0x2  }
0xb: {  	s10 =	simm.s32 $0x1;
	s11 =	simm.s32 $0x2800;
	s12 =	sor.u32 @!p0 $0x1C01, s12  }
0xc: {  	s8 =	sshrl.u32 s8, $0x3;
	s13 =	sadd.s32 s31, s2;
	s9 =	smax.u32 s9, $0x1  }
0xd: {  	s7 =	sadd.s32 s7, s6;
	s8 =	sadd.s32 s8, s6;
	s13 =	sshrl.u32 @!p0 s13, $0x3  }
0xe: {  	s6 =	sadd.s32 $0x60000, s7;
	s7 =	sadd.s32 $0x3E00, s7;
	s8 =	sadd.s32 $0x91200, s8  }
.LBB2_1:
0xf: {  	[tilespmem:s3], [sflag:$0x1] =	stream.linear.gather [hbm4b:s6+s3], $0x2800, $0x38;
	[tilespmem:$0x1C888] =	vst v63  }
0x10: {  	_ =	swait.ge [sflag:s10], $0x2800  }
0x11: {  	[sflag:s10] =	ssyncset.done $0x0  }
0x12: {  	[sflag:s10] =	ssyncadd.s32 $0xFFFFD800  }
0x13: {  	[tilespmem:s11], [sflag:$0x1] =	stream.linear.gather [hbm4b:s7+s3], $0x2800, $0x38;
	[tilespmem:$0x1C888] =	vst v63  }
0x14: {  	_ =	swait.ge [sflag:s10], $0x2800  }
0x15: {  	[sflag:s10] =	ssyncset.done $0x0  }
0x16: {  	s17 =	simm.s32 @!p0 $0x1;
	[sflag:s10] =	ssyncadd.s32 $0xFFFFD800  }
0x17: {  	[spmem:s13], [sflag:s12] =	dma.local @!p0 [hbm:s5], $0x3E80  }
0x18: {  	_ =	swait.ge @!p0 [sflag:s17], $0x3E80  }
0x19: {  	[sflag:s17] =	ssyncset.done @!p0 $0x0  }
0x1a: {  	[sflag:s17] =	ssyncadd.s32 @!p0 $0xFFFFC180  }
0x1b: {  	s30 =	simm.s32 $0x0;
	[bflag:$0x0] =	sbarrier.arrive $0xFFFF  }
0x1c: {  	[tilespmem:s15], [sflag:$0x1] =	stream.indirect.gather [hbm4b:s4+s14], $0x80, s30, s14, $0xb8;
	[tilespmem:$0x1C888] =	vst v63  }
0x1d: {  	_ =	swait.ge [sflag:s10], $0x4000  }
0x1e: {  	[sflag:s10] =	ssyncset.done $0x0  }
0x1f: {  	s31 =	simm.s32 $0x2800;
	[sflag:s10] =	ssyncadd.s32 $0xFFFFC000  }
0x20: {  	[spmem:s2] =	stream.indirect.scatter.add.f32 [tilespmem:s15], [sflag:$0x1], $0x80, s31, s14, $0xb8;
	[tilespmem:$0x1C888] =	vst v63  }
0x21: {  	_ =	swait.ge [sflag:s10], $0x4000  }
0x22: {  	s18 =	simm.s32 $0x400;
	s17 =	simm.s32 $0x200;
	[sflag:s10] =	ssyncset.done $0x0  }
.LBB2_2:
0x23: {  	s19 =	sshra.s32 s17, $0x2  }
0x24: {  	[sflag:s10] =	ssyncadd.s32 $0xFFFFC000;
	s17 =	smov.u32 s18;
	s20 =	sadd.s32 $0x200, s18  }
0x25: {  	[tilespmem:s15], [sflag:$0x1] =	stream.indirect.gather [hbm4b:s4+s14], $0x80, s19, s14, $0xb8;
	[tilespmem:$0x1C888] =	vst v63  }
0x26: {  	p1 =	sne.s32 s18, $0x9E00;
	_ =	swait.ge [sflag:s10], $0x4000  }
.Ltmp0:
0x27: {  	[sflag:s10] =	ssyncset.done $0x0;
	(pc) =	sbr.rel @p1 .LBB2_2-.Ltmp0, $4  }
0x28: {  	s18 =	sadd.s32 $0x2800, s19;
	[sflag:s10] =	ssyncadd.s32 $0xFFFFC000  }
0x29: {  	[spmem:s2] =	stream.indirect.scatter.add.f32 [tilespmem:s15], [sflag:$0x1], $0x80, s18, s14, $0xb8;
	[tilespmem:$0x1C888] =	vst v63  }
0x2a: {  	_ =	swait.ge [sflag:s10], $0x4000  }
0x2b: {  	s18 =	smov.u32 s20;
	[sflag:s10] =	ssyncset.done $0x0  }
0x2c: {  	s17 =	sshra.s32 s17, $0x2;
	[sflag:s10] =	ssyncadd.s32 $0xFFFFC000  }
0x2d: {  	[tilespmem:s15], [sflag:$0x1] =	stream.indirect.gather [hbm4b:s4+s14], $0x80, s17, s14, $0xb8;
	[tilespmem:$0x1C888] =	vst v63  }
0x2e: {  	_ =	swait.ge [sflag:s10], $0x4000  }
0x2f: {  	[sflag:s10] =	ssyncset.done $0x0  }
0x30: {  	s17 =	sadd.s32 $0x2800, s17;
	[sflag:s10] =	ssyncadd.s32 $0xFFFFC000  }
0x31: {  	[spmem:s2] =	stream.indirect.scatter.add.f32 [tilespmem:s15], [sflag:$0x1], $0x80, s17, s14, $0xb8;
	[tilespmem:$0x1C888] =	vst v63  }
0x32: {  	_ =	swait.ge [sflag:s10], $0x4000  }
0x33: {  	s16 =	sadd.s32 $0x1, s16;
	[sflag:s10] =	ssyncset.done $0x0  }
0x34: {  	p1 =	sne.s32 s16, s9;
	[sflag:s10] =	ssyncadd.s32 $0xFFFFC000  }
.Ltmp1:
0x35: {  	s17 =	simm.s32 @!p0 $0x1;
	[bflag:$0x0] =	sbarrier.arrive $0xFFFF;
	(pc) =	sbr.rel @p1 .LBB2_1-.Ltmp1, $4  }
0x36: {  	[hbm:s8], [sflag:s12] =	dma.local @!p0 [spmem:s13], $0x3E80  }
0x37: {  	_ =	swait.ge @!p0 [sflag:s17], $0x3E80  }
0x38: {  	[sflag:s17] =	ssyncset.done @!p0 $0x0  }
0x39: {  	[sflag:s17] =	ssyncadd.s32 @!p0 $0xFFFFC180  }
0x3a: {  	_ =	sfence.sel $0x180000  }
0x3b: {  	[bflag:$0x0] =	sbarrier.arrive $0xFFFF  }
0x3c: {  	p0 =	sne.s32 s0, $0x0;
	_ =	strace $0x9000004A  }
0x3d: {  	s0 =	sadd.s32 @!p0 $0x100000, s1;
	[bflag:$0x2] =	sbarrier.arrive $0xFFFF  }
0x3e: {  	[sflag:s0] =	ssyncadd.tile.s32 @!p0 $0x1;
	_ =	shalt  }
.Lfunc_end2:
_tile_overlayer_lowered:
.L_overlay_start_2:
0x3f: {  	(tag) =	ssettag $0x2  }
0x40: {  	s0 =	rddreg [dreg:$0x0];
	s2 =	stileid.u32  }
0x41: {  	s1 =	rddreg [dreg:$0x1];
	p0 =	sne.s32 s2, $0x0  }
0x42: {  	s3 =	rddreg [dreg:$0x2];
	[bflag:$0x3] =	sbarrier.arrive $0xFFFF;
	s2 =	simm.s32 @!p0 $0x1C01  }
0x43: {  	[timem:s3], [sflag:s2] =	dma.local @!p0 [hbm:s0], s1  }
0x44: {  	s0 =	simm.s32 @!p0 $0x1  }
0x45: {  	_ =	swait.ge @!p0 [sflag:s0], s1  }
0x46: {  	s1 =	ssub.s32 @!p0 $0x0, s1;
	[sflag:s0] =	ssyncset.done @!p0 $0x0  }
0x47: {  	[sflag:s0] =	ssyncadd.s32 @!p0 s1  }
0x48: {  	[bflag:$0x3] =	sbarrier.arrive $0xFFFF  }
0x49: {  	_ =	shalt  }

// kernel: kernel.16.cloned.1.call-start
scs
__scs_entry_jumppad:
0x0: {  	(pc) =	sbr.rel $0x88, $3  }
0x1: {  	(tag) =	ssettag $0x0;
	lr =	simm.s32 $0x1  }
0x2: {  	[smem:$0x3F95] =	sst lr;
	_ =	strace $0xD0000000  }
0x3: {  	_ = 	snop  }
0x4: {  	_ = 	snop  }
0x5: {  	_ = 	snop  }
0x6: {  	_ = 	snop  }
0x7: {  	_ = 	snop  }
__scs_overlays_trampoline_lowered:
0x8: {  	[smem:$0x3FA4] =	sst s0  }
0x9: {  	[smem:$0x3FA5] =	sst s1  }
0xa: {  	[smem:$0x3FA6] =	sst s2  }
0xb: {  	[smem:$0x3FA7] =	sst s3  }
0xc: {  	[smem:$0x3FA8] =	sst s4  }
0xd: {  	[smem:$0x3FA9] =	sst s5  }
0xe: {  	[smem:$0x3FAA] =	sst s6  }
0xf: {  	[smem:$0x3FAB] =	sst s7  }
0x10: {  	[smem:$0x3FAC] =	sst s8  }
0x11: {  	[smem:$0x3FAD] =	sst s9;
	s0 =	simm.s32 @!p0 $0x0  }
0x12: {  	s1 =	sld [smem:$0x3F93];
	s0 =	simm.s32 @p0 $0x1  }
0x13: {  	[smem:$0x3FAE] =	sst s0;
	s0 =	simm.s32 @!p1 $0x0  }
0x14: {  	s2 =	sld [smem:$0x3F92];
	s0 =	simm.s32 @p1 $0x1  }
0x15: {  	[smem:$0x3FAF] =	sst s0;
	s0 =	simm.s32 @!p2 $0x0  }
0x16: {  	s3 =	sld [smem:$0x3FDB];
	s0 =	simm.s32 @p2 $0x1  }
0x17: {  	s4 =	simm.s32 $0x1BF5;
	[smem:$0x3FB1] =	sst s0  }
0x18: {  	s0 =	sld [smem:$0x3F94];
	_ =	swait.ge [sflag:s4], $0x0  }
0x19: {  	s7 =	sld [smem:$0x3F95]  }
0x1a: {  	s8 =	sadd.s32 $0xFFFFE003, lr  }
0x1b: {  	s9 =	sadd.s32 $0xFFFFFEF7, lr;
	s5 =	simm.s32 $0xFFFFFFFF;
	p2 =	slt.u32 s8, $0xFFFFF086  }
0x1c: {  	p1 =	slt.u32 s9, $0xF7A;
	s5 =	simm.s32 @!p2 $0x0  }
0x1d: {  	s5 =	simm.s32 @p1 $0x1;
	p0 =	seq.s32 s7, s2  }
0x1e: {  	s7 =	smul.u32 @!p0 $0xF7A, s2;
	p2 =	seq.s32 @!p0 s5, $0x0  }
0x1f: {  	s9 =	smul.u32 $0xF7A, s1;
	s8 =	simm.s32 @!p0 $0x1BF5;
	p2 =	por !p2, p0  }
0x20: {  	[sflag:s8] =	ssyncset.s32 @!p0 $0xFFFFF086;
	s6 =	sadd.s32 @!p0 s3, s7;
	s7 =	simm.s32 @!p0 $0x108  }
0x21: {  	s3 =	sadd.s32 s3, s9;
	s6 =	sadd.s32 @!p0 $0x88, s6;
	s7 =	simm.s32 @p2 $0x1082  }
0x22: {  	[simem:s7], [sflag:s8] =	dma.local @!p0 [hbm:s6], $0xF7A  }
0x23: {  	s9 =	sor.u32 $0xD0000000, s2;
	s6 =	simm.s32 $0x108;
	_ =	swait.ge @!p0 [sflag:s8], $0x0  }
0x24: {  	s3 =	sadd.s32 $0x88, s3;
	s6 =	simm.s32 @!p1 $0x1082;
	[sflag:s4] =	ssyncset.s32 $0xFFFFF086  }
0x25: {  	[simem:s6], [sflag:s4] =	dma.local [hbm:s3], $0xF7A  }
0x26: {  	[smem:$0x3F95] =	sst s1;
	(tag) =	ssettag s2;
	_ =	strace s9  }
0x27: {  	s1 =	sld [smem:$0x3FA5]  }
0x28: {  	s2 =	sld [smem:$0x3FA6]  }
0x29: {  	s4 =	sld [smem:$0x3FA8]  }
0x2a: {  	p0 =	seq.s32 s5, $0x0;
	s5 =	sld [smem:$0x3FA9]  }
0x2b: {  	s6 =	sld [smem:$0x3FAA]  }
0x2c: {  	s7 =	sld [smem:$0x3FAB]  }
0x2d: {  	s3 =	simm.s32 $0x108;
	s8 =	sld [smem:$0x3FAC]  }
0x2e: {  	s3 =	simm.s32 @!p0 $0x1082;
	s9 =	sld [smem:$0x3FAD]  }
0x2f: {  	lr =	sadd.s32 s0, s3;
	s0 =	sld [smem:$0x3FA4]  }
0x30: {  	s3 =	sld [smem:$0x3FA7]  }
0x31: {  	[smem:$0x3FB0] =	sst s10  }
0x32: {  	s10 =	sld [smem:$0x3FAE];
	_ =	sdelay $0x3  }
0x33: {  	p0 =	seq.s32 s10, $0x1;
	s10 =	sld [smem:$0x3FB0];
	_ =	sdelay $0x3  }
0x34: {  	[smem:$0x3FB0] =	sst s10  }
0x35: {  	s10 =	sld [smem:$0x3FAF];
	_ =	sdelay $0x3  }
0x36: {  	p1 =	seq.s32 s10, $0x1;
	s10 =	sld [smem:$0x3FB0];
	_ =	sdelay $0x3  }
0x37: {  	[smem:$0x3FB0] =	sst s10  }
0x38: {  	s10 =	sld [smem:$0x3FB1]  }
0x39: {  	_ = 	snop;
	(pc) =	sbr.ind lr, $3  }
0x3a: {  	_ = 	snop  }
0x3b: {  	_ = 	snop  }
0x3c: {  	p2 =	seq.s32 s10, $0x1;
	s10 =	sld [smem:$0x3FB0]  }
0x3d: {  	_ =	shalt  }
0x3e: {  	_ =	shalt  }
0x3f: {  	_ =	shalt  }
0x40: {  	_ =	shalt  }
0x41: {  	_ =	shalt  }
0x42: {  	_ =	shalt  }
0x43: {  	_ =	shalt  }
0x44: {  	_ =	shalt  }
0x45: {  	_ =	shalt  }
0x46: {  	_ =	shalt  }
0x47: {  	_ =	shalt  }
0x48: {  	_ =	shalt  }
0x49: {  	_ =	shalt  }
0x4a: {  	_ =	shalt  }
0x4b: {  	_ =	shalt  }
0x4c: {  	_ =	shalt  }
0x4d: {  	_ =	shalt  }
0x4e: {  	_ =	shalt  }
0x4f: {  	_ =	shalt  }
0x50: {  	_ =	shalt  }
0x51: {  	_ =	shalt  }
0x52: {  	_ =	shalt  }
0x53: {  	_ =	shalt  }
0x54: {  	_ =	shalt  }
0x55: {  	_ =	shalt  }
0x56: {  	_ =	shalt  }
0x57: {  	_ =	shalt  }
0x58: {  	_ =	shalt  }
0x59: {  	_ =	shalt  }
0x5a: {  	_ =	shalt  }
0x5b: {  	_ =	shalt  }
0x5c: {  	_ =	shalt  }
0x5d: {  	_ =	shalt  }
0x5e: {  	_ =	shalt  }
0x5f: {  	_ =	shalt  }
0x60: {  	_ =	shalt  }
0x61: {  	_ =	shalt  }
0x62: {  	_ =	shalt  }
0x63: {  	_ =	shalt  }
0x64: {  	_ =	shalt  }
0x65: {  	_ =	shalt  }
0x66: {  	_ =	shalt  }
0x67: {  	_ =	shalt  }
0x68: {  	_ =	shalt  }
0x69: {  	_ =	shalt  }
0x6a: {  	_ =	shalt  }
0x6b: {  	_ =	shalt  }
0x6c: {  	_ =	shalt  }
0x6d: {  	_ =	shalt  }
0x6e: {  	_ =	shalt  }
0x6f: {  	_ =	shalt  }
0x70: {  	_ =	shalt  }
0x71: {  	_ =	shalt  }
0x72: {  	_ =	shalt  }
0x73: {  	_ =	shalt  }
0x74: {  	_ =	shalt  }
0x75: {  	_ =	shalt  }
0x76: {  	_ =	shalt  }
0x77: {  	_ =	shalt  }
0x78: {  	_ =	shalt  }
0x79: {  	_ =	shalt  }
0x7a: {  	_ =	shalt  }
0x7b: {  	_ =	shalt  }
0x7c: {  	_ =	shalt  }
0x7d: {  	_ =	shalt  }
0x7e: {  	_ =	shalt  }
0x7f: {  	_ =	shalt  }
0x80: {  	_ =	shalt  }
0x81: {  	_ =	shalt  }
0x82: {  	_ =	shalt  }
0x83: {  	_ =	shalt  }
0x84: {  	_ =	shalt  }
0x85: {  	_ =	shalt  }
0x86: {  	_ =	shalt  }
0x87: {  	_ =	shalt  }
.Lfunc_end0:
.L_simem_size_0:
called_computation.2_lowered:
.L_overlay_start_0:
0x88: {  	s2 =	sld [smem:$0x3FD9]  }
0x89: {  	s3 =	sld [smem:$0x3FFE];
	_ =	sdelay $0x1  }
0x8a: {  	s1 =	srdreg.scid  }
0x8b: {  	s0 =	sand.u32 $0x1, s1  }
0x8c: {  	s16 =	sshll.u32 s0, $0xA;
	s2 =	sadd.s32 s3, s2  }
0x8d: {  	s2 =	sadd.s32 s2, s16  }
0x8e: {  	[smem:$0x3FBC] =	sst s2  }
0x8f: {  	_ = 	snop  }
0x90: {  	(tm) =	ssettm $0x1  }
0x91: {  	s17 =	sld [smem:$0x3FFB];
	_ =	sdelay $0x3  }
0x92: {  	_ =	strace s17  }
0x93: {  	s2 =	sld [smem:$0x3FFC];
	_ =	sdelay $0x3  }
0x94: {  	_ =	strace s2  }
0x95: {  	s2 =	sld [smem:$0x3FFD];
	_ =	sdelay $0x3  }
0x96: {  	_ =	strace s2  }
0x97: {  	_ =	strace $0x8FFFFFFF  }
0x98: {  	s18 =	sld [smem:$0x3FDB];
	_ =	sdelay $0x1  }
0x99: {  	s19 =	simm.s32 $_scs_section_size  }
0x9a: {  	s4 =	simm.s32 $_size__tile_overlayer_lowered;
	s5 =	simm.s32 $_tile_overlayer_lowered  }
0x9b: {  	s22 =	simm.s32 $0x1BFF;
	s21 =	sshll.u32 s5, $0x1;
	s2 =	sadd.s32 s19, s18  }
0x9c: {  	s6 =	simm.s32 $0x0;
	s20 =	sshll.u32 s4, $0x1;
	s4 =	sadd.s32 s21, s2  }
0x9d: {  	[timem:s6], [sflag:s22] =	dma.local [hbm:s4], s20  }
0x9e: {  	_ =	swait.ge [sflag:s22], s20  }
0x9f: {  	s3 =	ssub.s32 $0x0, s20;
	[sflag:s22] =	ssyncset.done $0x0  }
0xa0: {  	[sflag:s22] =	ssyncadd.s32 s3;
	_ =	sdelay $0x1  }
0xa1: {  	s23 =	simm.s32 $0x1B8B  }
0xa2: {  	_ =	swait.ge [sflag:s23], $0x1  }
0xa3: {  	[sflag:s23] =	ssyncset.done $0x0  }
0xa4: {  	s25 =	simm.s32 $0x1B8E;
	s24 =	sld [smem:$0x3FFE];
	[sflag:s23] =	ssyncadd.s32 $0xFFFFFFFF  }
0xa5: {  	s26 =	simm.s32 $execute0_lowered;
	[smem:$0x3FD2] =	sst s25  }
0xa6: {  	s4 =	sshll.u32 s26, $0x1;
	_ =	strace $0x8000004C;
	[dreg:$0x1] =	wrdreg $0xFFFFFFFF  }
0xa7: {  	s28 =	simm.s32 $_size_execute0_lowered;
	s2 =	sadd.s32 s2, s4;
	[dreg:$0x0] =	wrdreg $0x0  }
0xa8: {  	s4 =	sshll.u32 s28, $0x1;
	[dreg:$0x2] =	wrdreg s2  }
0xa9: {  	[dreg:$0x3] =	wrdreg s4  }
0xaa: {  	[dreg:$0x4] =	wrdreg $0xC0  }
0xab: {  	_ =	task [dreg:s6], $0x5FFFF  }
0xac: {  	[dreg:$0x1] =	wrdreg $0xFFFFFFFF  }
0xad: {  	[dreg:$0x0] =	wrdreg $0x60  }
0xae: {  	[dreg:$0x2] =	wrdreg s24  }
0xaf: {  	[dreg:$0x3] =	wrdreg $0x90000  }
0xb0: {  	[dreg:$0x4] =	wrdreg $0x9  }
0xb1: {  	_ =	task.clear_ibuf [dreg:s6], $0x5FFFF;
	_ =	strace $0x9000004C  }
0xb2: {  	s29 =	simm.s32 $0x9;
	_ =	strace $0x8000004E  }
0xb3: {  	_ =	swait.ge [sflag:s29], $0x1  }
0xb4: {  	[sflag:s29] =	ssyncadd.s32 $0xFFFFFFFF  }
0xb5: {  	_ =	strace $0x9000004E  }
0xb6: {  	_ =	sfence  }
0xb7: {  	s30 =	sld [smem:$0x0];
	_ =	sdelay $0x2  }
0xb8: {  	s31 =	sshll.u32 s1, $0xD;
	s1 =	sshrl.u32 s1, $0x2  }
0xb9: {  	s3 =	sand.u32 $0x4000, s31;
	s1 =	sadd.s32 s1, s30  }
0xba: {  	s0 =	sor.u32 s3, s0;
	s1 =	sshll.u32 s1, $0x11  }
0xbb: {  	s0 =	sor.u32 s1, s0  }
0xbc: {  	s0 =	sadd.s32 $0x8F2B, s0  }
0xbd: {  	[sflag:s0] =	ssyncadd.remote.s32 $0x1  }
0xbe: {  	_ =	sfence.sel $0xFFFF  }
0xbf: {  	[dreg:$0x0] =	wrdreg $0xFFFFFFFF;
	(pc) =	sbr.abs _section_cstart, $3  }
0xc0: {  	[dreg:$0x1] =	wrdreg $0xFFFFFFFF  }
0xc1: {  	_ =	task.clear_ibuf [dreg:s6], $0x2FFFF;
	_ =	strace $0x9FFFFFFF  }
0xc2: {  	(tm) =	ssettm $0x7FFFFFFF  }
0xc3: {  	_ =	shalt  }
tec
execute0_lowered:
.L_overlay_start_1:
0x0: {  	(tag) =	ssettag $0x1  }
0x1: {  	s6 =	rddreg [dreg:$0x0]  }
0x2: {  	s0 =	srdreg.scid;
	s2 =	rddreg [dreg:$0x1]  }
0x3: {  	s3 =	simm.s32 $0x0;
	s14 =	simm.s32 $0x80;
	s15 =	simm.s32 $0x5000  }
0x4: {  	s16 =	simm.s32 $0x0;
	s5 =	sand.u32 $0x1, s0;
	s0 =	stileid.u32  }
0x5: {  	[smem:$0x7FF] =	sst s3;
	s4 =	sadd.s32 $0x6A000, s6;
	s8 =	smul.u32 $0x138800, s5  }
0x6: {  	s1 =	sshll.u32 s5, $0x4;
	s9 =	smul.u32 $0x1F400, s0;
	s30 =	ssub.s32 $0x2, s5  }
0x7: {  	s11 =	smul.u32 $0x7D000, s0;
	s5 =	sadd.s32 $0xDE00, s6;
	p0 =	sgt.u32 s0, $0x9  }
0x8: {  	s1 =	sor.u32 s0, s1;
	s10 =	sshrl.u32 s30, $0x1;
	s12 =	sshll.u32 @!p0 s0, $0x6  }
0x9: {  	s7 =	smul.u32 $0x500, s1;
	s1 =	rddreg [dreg:$0x2];
	_ =	strace $0x8000004D  }
0xa: {  	s8 =	sadd.s32 s9, s8;
	s9 =	ssub.s32 s30, s10;
	s31 =	sshrl.u32 s11, $0x2  }
0xb: {  	s10 =	simm.s32 $0x1;
	s11 =	simm.s32 $0x2800;
	s12 =	sor.u32 @!p0 $0x1C01, s12  }
0xc: {  	s8 =	sshrl.u32 s8, $0x3;
	s13 =	sadd.s32 s31, s2;
	s9 =	smax.u32 s9, $0x1  }
0xd: {  	s7 =	sadd.s32 s7, s6;
	s8 =	sadd.s32 s8, s6;
	s13 =	sshrl.u32 @!p0 s13, $0x3  }
0xe: {  	s6 =	sadd.s32 $0x60000, s7;
	s7 =	sadd.s32 $0x3E00, s7;
	s8 =	sadd.s32 $0x91200, s8  }
.LBB2_1:
0xf: {  	[tilespmem:s3], [sflag:$0x1] =	stream.linear.gather [hbm4b:s6+s3], $0x2800, $0x38;
	[tilespmem:$0x1C888] =	vst v63  }
0x10: {  	_ =	swait.ge [sflag:s10], $0x2800  }
0x11: {  	[sflag:s10] =	ssyncset.done $0x0  }
0x12: {  	[sflag:s10] =	ssyncadd.s32 $0xFFFFD800  }
0x13: {  	[tilespmem:s11], [sflag:$0x1] =	stream.linear.gather [hbm4b:s7+s3], $0x2800, $0x38;
	[tilespmem:$0x1C888] =	vst v63  }
0x14: {  	_ =	swait.ge [sflag:s10], $0x2800  }
0x15: {  	[sflag:s10] =	ssyncset.done $0x0  }
0x16: {  	s17 =	simm.s32 @!p0 $0x1;
	[sflag:s10] =	ssyncadd.s32 $0xFFFFD800  }
0x17: {  	[spmem:s13], [sflag:s12] =	dma.local @!p0 [hbm:s5], $0x3E80  }
0x18: {  	_ =	swait.ge @!p0 [sflag:s17], $0x3E80  }
0x19: {  	[sflag:s17] =	ssyncset.done @!p0 $0x0  }
0x1a: {  	[sflag:s17] =	ssyncadd.s32 @!p0 $0xFFFFC180  }
0x1b: {  	s30 =	simm.s32 $0x0;
	[bflag:$0x0] =	sbarrier.arrive $0xFFFF  }
0x1c: {  	[tilespmem:s15], [sflag:$0x1] =	stream.indirect.gather [hbm4b:s4+s14], $0x80, s30, s14, $0xb8;
	[tilespmem:$0x1C888] =	vst v63  }
0x1d: {  	_ =	swait.ge [sflag:s10], $0x4000  }
0x1e: {  	[sflag:s10] =	ssyncset.done $0x0  }
0x1f: {  	s31 =	simm.s32 $0x2800;
	[sflag:s10] =	ssyncadd.s32 $0xFFFFC000  }
0x20: {  	[spmem:s2] =	stream.indirect.scatter.add.f32 [tilespmem:s15], [sflag:$0x1], $0x80, s31, s14, $0xb8;
	[tilespmem:$0x1C888] =	vst v63  }
0x21: {  	_ =	swait.ge [sflag:s10], $0x4000  }
0x22: {  	s18 =	simm.s32 $0x400;
	s17 =	simm.s32 $0x200;
	[sflag:s10] =	ssyncset.done $0x0  }
.LBB2_2:
0x23: {  	s19 =	sshra.s32 s17, $0x2  }
0x24: {  	[sflag:s10] =	ssyncadd.s32 $0xFFFFC000;
	s17 =	smov.u32 s18;
	s20 =	sadd.s32 $0x200, s18  }
0x25: {  	[tilespmem:s15], [sflag:$0x1] =	stream.indirect.gather [hbm4b:s4+s14], $0x80, s19, s14, $0xb8;
	[tilespmem:$0x1C888] =	vst v63  }
0x26: {  	p1 =	sne.s32 s18, $0x9E00;
	_ =	swait.ge [sflag:s10], $0x4000  }
.Ltmp0:
0x27: {  	[sflag:s10] =	ssyncset.done $0x0;
	(pc) =	sbr.rel @p1 .LBB2_2-.Ltmp0, $4  }
0x28: {  	s18 =	sadd.s32 $0x2800, s19;
	[sflag:s10] =	ssyncadd.s32 $0xFFFFC000  }
0x29: {  	[spmem:s2] =	stream.indirect.scatter.add.f32 [tilespmem:s15], [sflag:$0x1], $0x80, s18, s14, $0xb8;
	[tilespmem:$0x1C888] =	vst v63  }
0x2a: {  	_ =	swait.ge [sflag:s10], $0x4000  }
0x2b: {  	s18 =	smov.u32 s20;
	[sflag:s10] =	ssyncset.done $0x0  }
0x2c: {  	s17 =	sshra.s32 s17, $0x2;
	[sflag:s10] =	ssyncadd.s32 $0xFFFFC000  }
0x2d: {  	[tilespmem:s15], [sflag:$0x1] =	stream.indirect.gather [hbm4b:s4+s14], $0x80, s17, s14, $0xb8;
	[tilespmem:$0x1C888] =	vst v63  }
0x2e: {  	_ =	swait.ge [sflag:s10], $0x4000  }
0x2f: {  	[sflag:s10] =	ssyncset.done $0x0  }
0x30: {  	s17 =	sadd.s32 $0x2800, s17;
	[sflag:s10] =	ssyncadd.s32 $0xFFFFC000  }
0x31: {  	[spmem:s2] =	stream.indirect.scatter.add.f32 [tilespmem:s15], [sflag:$0x1], $0x80, s17, s14, $0xb8;
	[tilespmem:$0x1C888] =	vst v63  }
0x32: {  	_ =	swait.ge [sflag:s10], $0x4000  }
0x33: {  	s16 =	sadd.s32 $0x1, s16;
	[sflag:s10] =	ssyncset.done $0x0  }
0x34: {  	p1 =	sne.s32 s16, s9;
	[sflag:s10] =	ssyncadd.s32 $0xFFFFC000  }
.Ltmp1:
0x35: {  	s17 =	simm.s32 @!p0 $0x1;
	[bflag:$0x0] =	sbarrier.arrive $0xFFFF;
	(pc) =	sbr.rel @p1 .LBB2_1-.Ltmp1, $4  }
0x36: {  	[hbm:s8], [sflag:s12] =	dma.local @!p0 [spmem:s13], $0x3E80  }
0x37: {  	_ =	swait.ge @!p0 [sflag:s17], $0x3E80  }
0x38: {  	[sflag:s17] =	ssyncset.done @!p0 $0x0  }
0x39: {  	[sflag:s17] =	ssyncadd.s32 @!p0 $0xFFFFC180  }
0x3a: {  	_ =	sfence.sel $0x180000  }
0x3b: {  	[bflag:$0x0] =	sbarrier.arrive $0xFFFF  }
0x3c: {  	p0 =	sne.s32 s0, $0x0;
	_ =	strace $0x9000004D  }
0x3d: {  	s0 =	sadd.s32 @!p0 $0x100000, s1;
	[bflag:$0x2] =	sbarrier.arrive $0xFFFF  }
0x3e: {  	[sflag:s0] =	ssyncadd.tile.s32 @!p0 $0x1;
	_ =	shalt  }
.Lfunc_end2:
_tile_overlayer_lowered:
.L_overlay_start_2:
0x3f: {  	(tag) =	ssettag $0x2  }
0x40: {  	s0 =	rddreg [dreg:$0x0];
	s2 =	stileid.u32  }
0x41: {  	s1 =	rddreg [dreg:$0x1];
	p0 =	sne.s32 s2, $0x0  }
0x42: {  	s3 =	rddreg [dreg:$0x2];
	[bflag:$0x3] =	sbarrier.arrive $0xFFFF;
	s2 =	simm.s32 @!p0 $0x1C01  }
0x43: {  	[timem:s3], [sflag:s2] =	dma.local @!p0 [hbm:s0], s1  }
0x44: {  	s0 =	simm.s32 @!p0 $0x1  }
0x45: {  	_ =	swait.ge @!p0 [sflag:s0], s1  }
0x46: {  	s1 =	ssub.s32 @!p0 $0x0, s1;
	[sflag:s0] =	ssyncset.done @!p0 $0x0  }
0x47: {  	[sflag:s0] =	ssyncadd.s32 @!p0 s1  }
0x48: {  	[bflag:$0x3] =	sbarrier.arrive $0xFFFF  }
0x49: {  	_ =	shalt  }

// kernel: kernel.19.cloned.1.call-start
scs
__scs_entry_jumppad:
0x0: {  	(pc) =	sbr.rel $0x88, $3  }
0x1: {  	(tag) =	ssettag $0x0;
	lr =	simm.s32 $0x1  }
0x2: {  	[smem:$0x3F95] =	sst lr;
	_ =	strace $0xD0000000  }
0x3: {  	_ = 	snop  }
0x4: {  	_ = 	snop  }
0x5: {  	_ = 	snop  }
0x6: {  	_ = 	snop  }
0x7: {  	_ = 	snop  }
__scs_overlays_trampoline_lowered:
0x8: {  	[smem:$0x3FA4] =	sst s0  }
0x9: {  	[smem:$0x3FA5] =	sst s1  }
0xa: {  	[smem:$0x3FA6] =	sst s2  }
0xb: {  	[smem:$0x3FA7] =	sst s3  }
0xc: {  	[smem:$0x3FA8] =	sst s4  }
0xd: {  	[smem:$0x3FA9] =	sst s5  }
0xe: {  	[smem:$0x3FAA] =	sst s6  }
0xf: {  	[smem:$0x3FAB] =	sst s7  }
0x10: {  	[smem:$0x3FAC] =	sst s8  }
0x11: {  	[smem:$0x3FAD] =	sst s9;
	s0 =	simm.s32 @!p0 $0x0  }
0x12: {  	s1 =	sld [smem:$0x3F93];
	s0 =	simm.s32 @p0 $0x1  }
0x13: {  	[smem:$0x3FAE] =	sst s0;
	s0 =	simm.s32 @!p1 $0x0  }
0x14: {  	s2 =	sld [smem:$0x3F92];
	s0 =	simm.s32 @p1 $0x1  }
0x15: {  	[smem:$0x3FAF] =	sst s0;
	s0 =	simm.s32 @!p2 $0x0  }
0x16: {  	s3 =	sld [smem:$0x3FDB];
	s0 =	simm.s32 @p2 $0x1  }
0x17: {  	s4 =	simm.s32 $0x1BF5;
	[smem:$0x3FB1] =	sst s0  }
0x18: {  	s0 =	sld [smem:$0x3F94];
	_ =	swait.ge [sflag:s4], $0x0  }
0x19: {  	s7 =	sld [smem:$0x3F95]  }
0x1a: {  	s8 =	sadd.s32 $0xFFFFE003, lr  }
0x1b: {  	s9 =	sadd.s32 $0xFFFFFEF7, lr;
	s5 =	simm.s32 $0xFFFFFFFF;
	p2 =	slt.u32 s8, $0xFFFFF086  }
0x1c: {  	p1 =	slt.u32 s9, $0xF7A;
	s5 =	simm.s32 @!p2 $0x0  }
0x1d: {  	s5 =	simm.s32 @p1 $0x1;
	p0 =	seq.s32 s7, s2  }
0x1e: {  	s7 =	smul.u32 @!p0 $0xF7A, s2;
	p2 =	seq.s32 @!p0 s5, $0x0  }
0x1f: {  	s9 =	smul.u32 $0xF7A, s1;
	s8 =	simm.s32 @!p0 $0x1BF5;
	p2 =	por !p2, p0  }
0x20: {  	[sflag:s8] =	ssyncset.s32 @!p0 $0xFFFFF086;
	s6 =	sadd.s32 @!p0 s3, s7;
	s7 =	simm.s32 @!p0 $0x108  }
0x21: {  	s3 =	sadd.s32 s3, s9;
	s6 =	sadd.s32 @!p0 $0x88, s6;
	s7 =	simm.s32 @p2 $0x1082  }
0x22: {  	[simem:s7], [sflag:s8] =	dma.local @!p0 [hbm:s6], $0xF7A  }
0x23: {  	s9 =	sor.u32 $0xD0000000, s2;
	s6 =	simm.s32 $0x108;
	_ =	swait.ge @!p0 [sflag:s8], $0x0  }
0x24: {  	s3 =	sadd.s32 $0x88, s3;
	s6 =	simm.s32 @!p1 $0x1082;
	[sflag:s4] =	ssyncset.s32 $0xFFFFF086  }
0x25: {  	[simem:s6], [sflag:s4] =	dma.local [hbm:s3], $0xF7A  }
0x26: {  	[smem:$0x3F95] =	sst s1;
	(tag) =	ssettag s2;
	_ =	strace s9  }
0x27: {  	s1 =	sld [smem:$0x3FA5]  }
0x28: {  	s2 =	sld [smem:$0x3FA6]  }
0x29: {  	s4 =	sld [smem:$0x3FA8]  }
0x2a: {  	p0 =	seq.s32 s5, $0x0;
	s5 =	sld [smem:$0x3FA9]  }
0x2b: {  	s6 =	sld [smem:$0x3FAA]  }
0x2c: {  	s7 =	sld [smem:$0x3FAB]  }
0x2d: {  	s3 =	simm.s32 $0x108;
	s8 =	sld [smem:$0x3FAC]  }
0x2e: {  	s3 =	simm.s32 @!p0 $0x1082;
	s9 =	sld [smem:$0x3FAD]  }
0x2f: {  	lr =	sadd.s32 s0, s3;
	s0 =	sld [smem:$0x3FA4]  }
0x30: {  	s3 =	sld [smem:$0x3FA7]  }
0x31: {  	[smem:$0x3FB0] =	sst s10  }
0x32: {  	s10 =	sld [smem:$0x3FAE];
	_ =	sdelay $0x3  }
0x33: {  	p0 =	seq.s32 s10, $0x1;
	s10 =	sld [smem:$0x3FB0];
	_ =	sdelay $0x3  }
0x34: {  	[smem:$0x3FB0] =	sst s10  }
0x35: {  	s10 =	sld [smem:$0x3FAF];
	_ =	sdelay $0x3  }
0x36: {  	p1 =	seq.s32 s10, $0x1;
	s10 =	sld [smem:$0x3FB0];
	_ =	sdelay $0x3  }
0x37: {  	[smem:$0x3FB0] =	sst s10  }
0x38: {  	s10 =	sld [smem:$0x3FB1]  }
0x39: {  	_ = 	snop;
	(pc) =	sbr.ind lr, $3  }
0x3a: {  	_ = 	snop  }
0x3b: {  	_ = 	snop  }
0x3c: {  	p2 =	seq.s32 s10, $0x1;
	s10 =	sld [smem:$0x3FB0]  }
0x3d: {  	_ =	shalt  }
0x3e: {  	_ =	shalt  }
0x3f: {  	_ =	shalt  }
0x40: {  	_ =	shalt  }
0x41: {  	_ =	shalt  }
0x42: {  	_ =	shalt  }
0x43: {  	_ =	shalt  }
0x44: {  	_ =	shalt  }
0x45: {  	_ =	shalt  }
0x46: {  	_ =	shalt  }
0x47: {  	_ =	shalt  }
0x48: {  	_ =	shalt  }
0x49: {  	_ =	shalt  }
0x4a: {  	_ =	shalt  }
0x4b: {  	_ =	shalt  }
0x4c: {  	_ =	shalt  }
0x4d: {  	_ =	shalt  }
0x4e: {  	_ =	shalt  }
0x4f: {  	_ =	shalt  }
0x50: {  	_ =	shalt  }
0x51: {  	_ =	shalt  }
0x52: {  	_ =	shalt  }
0x53: {  	_ =	shalt  }
0x54: {  	_ =	shalt  }
0x55: {  	_ =	shalt  }
0x56: {  	_ =	shalt  }
0x57: {  	_ =	shalt  }
0x58: {  	_ =	shalt  }
0x59: {  	_ =	shalt  }
0x5a: {  	_ =	shalt  }
0x5b: {  	_ =	shalt  }
0x5c: {  	_ =	shalt  }
0x5d: {  	_ =	shalt  }
0x5e: {  	_ =	shalt  }
0x5f: {  	_ =	shalt  }
0x60: {  	_ =	shalt  }
0x61: {  	_ =	shalt  }
0x62: {  	_ =	shalt  }
0x63: {  	_ =	shalt  }
0x64: {  	_ =	shalt  }
0x65: {  	_ =	shalt  }
0x66: {  	_ =	shalt  }
0x67: {  	_ =	shalt  }
0x68: {  	_ =	shalt  }
0x69: {  	_ =	shalt  }
0x6a: {  	_ =	shalt  }
0x6b: {  	_ =	shalt  }
0x6c: {  	_ =	shalt  }
0x6d: {  	_ =	shalt  }
0x6e: {  	_ =	shalt  }
0x6f: {  	_ =	shalt  }
0x70: {  	_ =	shalt  }
0x71: {  	_ =	shalt  }
0x72: {  	_ =	shalt  }
0x73: {  	_ =	shalt  }
0x74: {  	_ =	shalt  }
0x75: {  	_ =	shalt  }
0x76: {  	_ =	shalt  }
0x77: {  	_ =	shalt  }
0x78: {  	_ =	shalt  }
0x79: {  	_ =	shalt  }
0x7a: {  	_ =	shalt  }
0x7b: {  	_ =	shalt  }
0x7c: {  	_ =	shalt  }
0x7d: {  	_ =	shalt  }
0x7e: {  	_ =	shalt  }
0x7f: {  	_ =	shalt  }
0x80: {  	_ =	shalt  }
0x81: {  	_ =	shalt  }
0x82: {  	_ =	shalt  }
0x83: {  	_ =	shalt  }
0x84: {  	_ =	shalt  }
0x85: {  	_ =	shalt  }
0x86: {  	_ =	shalt  }
0x87: {  	_ =	shalt  }
.Lfunc_end0:
.L_simem_size_0:
called_computation.3_lowered:
.L_overlay_start_0:
0x88: {  	s2 =	sld [smem:$0x3FD9]  }
0x89: {  	s3 =	sld [smem:$0x3FFE];
	_ =	sdelay $0x1  }
0x8a: {  	s1 =	srdreg.scid  }
0x8b: {  	s0 =	sand.u32 $0x1, s1  }
0x8c: {  	s16 =	sshll.u32 s0, $0xA;
	s2 =	sadd.s32 s3, s2  }
0x8d: {  	s2 =	sadd.s32 s2, s16  }
0x8e: {  	[smem:$0x3FBC] =	sst s2  }
0x8f: {  	_ = 	snop  }
0x90: {  	(tm) =	ssettm $0x1  }
0x91: {  	s17 =	sld [smem:$0x3FFB];
	_ =	sdelay $0x3  }
0x92: {  	_ =	strace s17  }
0x93: {  	s2 =	sld [smem:$0x3FFC];
	_ =	sdelay $0x3  }
0x94: {  	_ =	strace s2  }
0x95: {  	s2 =	sld [smem:$0x3FFD];
	_ =	sdelay $0x3  }
0x96: {  	_ =	strace s2  }
0x97: {  	_ =	strace $0x8FFFFFFF  }
0x98: {  	s18 =	sld [smem:$0x3FDB];
	_ =	sdelay $0x1  }
0x99: {  	s19 =	simm.s32 $_scs_section_size  }
0x9a: {  	s4 =	simm.s32 $_size__tile_overlayer_lowered;
	s5 =	simm.s32 $_tile_overlayer_lowered  }
0x9b: {  	s22 =	simm.s32 $0x1BFF;
	s21 =	sshll.u32 s5, $0x1;
	s2 =	sadd.s32 s19, s18  }
0x9c: {  	s6 =	simm.s32 $0x0;
	s20 =	sshll.u32 s4, $0x1;
	s4 =	sadd.s32 s21, s2  }
0x9d: {  	[timem:s6], [sflag:s22] =	dma.local [hbm:s4], s20  }
0x9e: {  	_ =	swait.ge [sflag:s22], s20  }
0x9f: {  	s3 =	ssub.s32 $0x0, s20;
	[sflag:s22] =	ssyncset.done $0x0  }
0xa0: {  	[sflag:s22] =	ssyncadd.s32 s3;
	_ =	sdelay $0x1  }
0xa1: {  	s23 =	simm.s32 $0x1B8B  }
0xa2: {  	_ =	swait.ge [sflag:s23], $0x1  }
0xa3: {  	[sflag:s23] =	ssyncset.done $0x0  }
0xa4: {  	s25 =	simm.s32 $0x1B8E;
	s24 =	sld [smem:$0x3FFE];
	[sflag:s23] =	ssyncadd.s32 $0xFFFFFFFF  }
0xa5: {  	s26 =	simm.s32 $execute0_lowered;
	[smem:$0x3FD2] =	sst s25  }
0xa6: {  	s4 =	sshll.u32 s26, $0x1;
	_ =	strace $0x8000004F;
	[dreg:$0x1] =	wrdreg $0xFFFFFFFF  }
0xa7: {  	s28 =	simm.s32 $_size_execute0_lowered;
	s2 =	sadd.s32 s2, s4;
	[dreg:$0x0] =	wrdreg $0x0  }
0xa8: {  	s4 =	sshll.u32 s28, $0x1;
	[dreg:$0x2] =	wrdreg s2  }
0xa9: {  	[dreg:$0x3] =	wrdreg s4  }
0xaa: {  	[dreg:$0x4] =	wrdreg $0xC0  }
0xab: {  	_ =	task [dreg:s6], $0x5FFFF  }
0xac: {  	[dreg:$0x1] =	wrdreg $0xFFFFFFFF  }
0xad: {  	[dreg:$0x0] =	wrdreg $0x60  }
0xae: {  	[dreg:$0x2] =	wrdreg s24  }
0xaf: {  	[dreg:$0x3] =	wrdreg $0x90000  }
0xb0: {  	[dreg:$0x4] =	wrdreg $0x9  }
0xb1: {  	_ =	task.clear_ibuf [dreg:s6], $0x5FFFF;
	_ =	strace $0x9000004F  }
0xb2: {  	s29 =	simm.s32 $0x9;
	_ =	strace $0x80000051  }
0xb3: {  	_ =	swait.ge [sflag:s29], $0x1  }
0xb4: {  	[sflag:s29] =	ssyncadd.s32 $0xFFFFFFFF  }
0xb5: {  	_ =	strace $0x90000051  }
0xb6: {  	_ =	sfence  }
0xb7: {  	s30 =	sld [smem:$0x0];
	_ =	sdelay $0x2  }
0xb8: {  	s31 =	sshll.u32 s1, $0xD;
	s1 =	sshrl.u32 s1, $0x2  }
0xb9: {  	s3 =	sand.u32 $0x4000, s31;
	s1 =	sadd.s32 s1, s30  }
0xba: {  	s0 =	sor.u32 s3, s0;
	s1 =	sshll.u32 s1, $0x11  }
0xbb: {  	s0 =	sor.u32 s1, s0  }
0xbc: {  	s0 =	sadd.s32 $0x8F2B, s0  }
0xbd: {  	[sflag:s0] =	ssyncadd.remote.s32 $0x1  }
0xbe: {  	_ =	sfence.sel $0xFFFF  }
0xbf: {  	[dreg:$0x0] =	wrdreg $0xFFFFFFFF;
	(pc) =	sbr.abs _section_cstart, $3  }
0xc0: {  	[dreg:$0x1] =	wrdreg $0xFFFFFFFF  }
0xc1: {  	_ =	task.clear_ibuf [dreg:s6], $0x2FFFF;
	_ =	strace $0x9FFFFFFF  }
0xc2: {  	(tm) =	ssettm $0x7FFFFFFF  }
0xc3: {  	_ =	shalt  }
tec
execute0_lowered:
.L_overlay_start_1:
0x0: {  	(tag) =	ssettag $0x1  }
0x1: {  	s6 =	rddreg [dreg:$0x0]  }
0x2: {  	s0 =	srdreg.scid;
	s2 =	rddreg [dreg:$0x1]  }
0x3: {  	s3 =	simm.s32 $0x0;
	s14 =	simm.s32 $0x80;
	s15 =	simm.s32 $0x5000  }
0x4: {  	s16 =	simm.s32 $0x0;
	s5 =	sand.u32 $0x1, s0;
	s0 =	stileid.u32  }
0x5: {  	[smem:$0x7FF] =	sst s3;
	s4 =	sadd.s32 $0x6A000, s6;
	s8 =	smul.u32 $0x138800, s5  }
0x6: {  	s1 =	sshll.u32 s5, $0x4;
	s9 =	smul.u32 $0x1F400, s0;
	s30 =	ssub.s32 $0x2, s5  }
0x7: {  	s11 =	smul.u32 $0x7D000, s0;
	s5 =	sadd.s32 $0xDE00, s6;
	p0 =	sgt.u32 s0, $0x9  }
0x8: {  	s1 =	sor.u32 s0, s1;
	s10 =	sshrl.u32 s30, $0x1;
	s12 =	sshll.u32 @!p0 s0, $0x6  }
0x9: {  	s7 =	smul.u32 $0x500, s1;
	s1 =	rddreg [dreg:$0x2];
	_ =	strace $0x80000050  }
0xa: {  	s8 =	sadd.s32 s9, s8;
	s9 =	ssub.s32 s30, s10;
	s31 =	sshrl.u32 s11, $0x2  }
0xb: {  	s10 =	simm.s32 $0x1;
	s11 =	simm.s32 $0x2800;
	s12 =	sor.u32 @!p0 $0x1C01, s12  }
0xc: {  	s8 =	sshrl.u32 s8, $0x3;
	s13 =	sadd.s32 s31, s2;
	s9 =	smax.u32 s9, $0x1  }
0xd: {  	s7 =	sadd.s32 s7, s6;
	s8 =	sadd.s32 s8, s6;
	s13 =	sshrl.u32 @!p0 s13, $0x3  }
0xe: {  	s6 =	sadd.s32 $0x60000, s7;
	s7 =	sadd.s32 $0x3E00, s7;
	s8 =	sadd.s32 $0x91200, s8  }
.LBB2_1:
0xf: {  	[tilespmem:s3], [sflag:$0x1] =	stream.linear.gather [hbm4b:s6+s3], $0x2800, $0x38;
	[tilespmem:$0x1C888] =	vst v63  }
0x10: {  	_ =	swait.ge [sflag:s10], $0x2800  }
0x11: {  	[sflag:s10] =	ssyncset.done $0x0  }
0x12: {  	[sflag:s10] =	ssyncadd.s32 $0xFFFFD800  }
0x13: {  	[tilespmem:s11], [sflag:$0x1] =	stream.linear.gather [hbm4b:s7+s3], $0x2800, $0x38;
	[tilespmem:$0x1C888] =	vst v63  }
0x14: {  	_ =	swait.ge [sflag:s10], $0x2800  }
0x15: {  	[sflag:s10] =	ssyncset.done $0x0  }
0x16: {  	s17 =	simm.s32 @!p0 $0x1;
	[sflag:s10] =	ssyncadd.s32 $0xFFFFD800  }
0x17: {  	[spmem:s13], [sflag:s12] =	dma.local @!p0 [hbm:s5], $0x3E80  }
0x18: {  	_ =	swait.ge @!p0 [sflag:s17], $0x3E80  }
0x19: {  	[sflag:s17] =	ssyncset.done @!p0 $0x0  }
0x1a: {  	[sflag:s17] =	ssyncadd.s32 @!p0 $0xFFFFC180  }
0x1b: {  	s30 =	simm.s32 $0x0;
	[bflag:$0x0] =	sbarrier.arrive $0xFFFF  }
0x1c: {  	[tilespmem:s15], [sflag:$0x1] =	stream.indirect.gather [hbm4b:s4+s14], $0x80, s30, s14, $0xb8;
	[tilespmem:$0x1C888] =	vst v63  }
0x1d: {  	_ =	swait.ge [sflag:s10], $0x4000  }
0x1e: {  	[sflag:s10] =	ssyncset.done $0x0  }
0x1f: {  	s31 =	simm.s32 $0x2800;
	[sflag:s10] =	ssyncadd.s32 $0xFFFFC000  }
0x20: {  	[spmem:s2] =	stream.indirect.scatter.add.f32 [tilespmem:s15], [sflag:$0x1], $0x80, s31, s14, $0xb8;
	[tilespmem:$0x1C888] =	vst v63  }
0x21: {  	_ =	swait.ge [sflag:s10], $0x4000  }
0x22: {  	s18 =	simm.s32 $0x400;
	s17 =	simm.s32 $0x200;
	[sflag:s10] =	ssyncset.done $0x0  }
.LBB2_2:
0x23: {  	s19 =	sshra.s32 s17, $0x2  }
0x24: {  	[sflag:s10] =	ssyncadd.s32 $0xFFFFC000;
	s17 =	smov.u32 s18;
	s20 =	sadd.s32 $0x200, s18  }
0x25: {  	[tilespmem:s15], [sflag:$0x1] =	stream.indirect.gather [hbm4b:s4+s14], $0x80, s19, s14, $0xb8;
	[tilespmem:$0x1C888] =	vst v63  }
0x26: {  	p1 =	sne.s32 s18, $0x9E00;
	_ =	swait.ge [sflag:s10], $0x4000  }
.Ltmp0:
0x27: {  	[sflag:s10] =	ssyncset.done $0x0;
	(pc) =	sbr.rel @p1 .LBB2_2-.Ltmp0, $4  }
0x28: {  	s18 =	sadd.s32 $0x2800, s19;
	[sflag:s10] =	ssyncadd.s32 $0xFFFFC000  }
0x29: {  	[spmem:s2] =	stream.indirect.scatter.add.f32 [tilespmem:s15], [sflag:$0x1], $0x80, s18, s14, $0xb8;
	[tilespmem:$0x1C888] =	vst v63  }
0x2a: {  	_ =	swait.ge [sflag:s10], $0x4000  }
0x2b: {  	s18 =	smov.u32 s20;
	[sflag:s10] =	ssyncset.done $0x0  }
0x2c: {  	s17 =	sshra.s32 s17, $0x2;
	[sflag:s10] =	ssyncadd.s32 $0xFFFFC000  }
0x2d: {  	[tilespmem:s15], [sflag:$0x1] =	stream.indirect.gather [hbm4b:s4+s14], $0x80, s17, s14, $0xb8;
	[tilespmem:$0x1C888] =	vst v63  }
0x2e: {  	_ =	swait.ge [sflag:s10], $0x4000  }
0x2f: {  	[sflag:s10] =	ssyncset.done $0x0  }
0x30: {  	s17 =	sadd.s32 $0x2800, s17;
	[sflag:s10] =	ssyncadd.s32 $0xFFFFC000  }
0x31: {  	[spmem:s2] =	stream.indirect.scatter.add.f32 [tilespmem:s15], [sflag:$0x1], $0x80, s17, s14, $0xb8;
	[tilespmem:$0x1C888] =	vst v63  }
0x32: {  	_ =	swait.ge [sflag:s10], $0x4000  }
0x33: {  	s16 =	sadd.s32 $0x1, s16;
	[sflag:s10] =	ssyncset.done $0x0  }
0x34: {  	p1 =	sne.s32 s16, s9;
	[sflag:s10] =	ssyncadd.s32 $0xFFFFC000  }
.Ltmp1:
0x35: {  	s17 =	simm.s32 @!p0 $0x1;
	[bflag:$0x0] =	sbarrier.arrive $0xFFFF;
	(pc) =	sbr.rel @p1 .LBB2_1-.Ltmp1, $4  }
0x36: {  	[hbm:s8], [sflag:s12] =	dma.local @!p0 [spmem:s13], $0x3E80  }
0x37: {  	_ =	swait.ge @!p0 [sflag:s17], $0x3E80  }
0x38: {  	[sflag:s17] =	ssyncset.done @!p0 $0x0  }
0x39: {  	[sflag:s17] =	ssyncadd.s32 @!p0 $0xFFFFC180  }
0x3a: {  	_ =	sfence.sel $0x180000  }
0x3b: {  	[bflag:$0x0] =	sbarrier.arrive $0xFFFF  }
0x3c: {  	p0 =	sne.s32 s0, $0x0;
	_ =	strace $0x90000050  }
0x3d: {  	s0 =	sadd.s32 @!p0 $0x100000, s1;
	[bflag:$0x2] =	sbarrier.arrive $0xFFFF  }
0x3e: {  	[sflag:s0] =	ssyncadd.tile.s32 @!p0 $0x1;
	_ =	shalt  }
.Lfunc_end2:
_tile_overlayer_lowered:
.L_overlay_start_2:
0x3f: {  	(tag) =	ssettag $0x2  }
0x40: {  	s0 =	rddreg [dreg:$0x0];
	s2 =	stileid.u32  }
0x41: {  	s1 =	rddreg [dreg:$0x1];
	p0 =	sne.s32 s2, $0x0  }
0x42: {  	s3 =	rddreg [dreg:$0x2];
	[bflag:$0x3] =	sbarrier.arrive $0xFFFF;
	s2 =	simm.s32 @!p0 $0x1C01  }
0x43: {  	[timem:s3], [sflag:s2] =	dma.local @!p0 [hbm:s0], s1  }
0x44: {  	s0 =	simm.s32 @!p0 $0x1  }
0x45: {  	_ =	swait.ge @!p0 [sflag:s0], s1  }
0x46: {  	s1 =	ssub.s32 @!p0 $0x0, s1;
	[sflag:s0] =	ssyncset.done @!p0 $0x0  }
0x47: {  	[sflag:s0] =	ssyncadd.s32 @!p0 s1  }
0x48: {  	[bflag:$0x3] =	sbarrier.arrive $0xFFFF  }
0x49: {  	_ =	shalt  }

</sc_bundles>
